<compile_context>
chip_gen: v7x
topology: tpu7x:2x2x1
jax: 0.10.2.dev20260603
libtpu: 0.0.44.dev20260713+nightly
codegen_flags: <defaults>
</compile_context>

<pallas_src>
import jax
import jax.numpy as jnp
from jax import lax
from jax.experimental import pallas as pl
from jax.experimental.pallas import tpu as pltpu
from jax.experimental.pallas import tpu_sc as plsc

B, L, V, D = 4096, 20, 100000, 4
LANES = 16
NC, NS = 2, 16
ROWS_PER_W = B // NS
RCHUNKS = ROWS_PER_W // LANES


def _project_body(t1_ref, t2_ref, w_ref, b_ref, i1_ref, i2_ref,
                  o1_ref, o2_ref, o3_ref, oi1_ref, oi2_ref):
    w = w_ref[...].reshape(1, D)
    o1_ref[...] = jnp.dot(w, t1_ref[...], preferred_element_type=jnp.float32)[0]
    o2_ref[...] = jnp.dot(w, t2_ref[...], preferred_element_type=jnp.float32)[0]
    o3_ref[...] = jnp.broadcast_to(b_ref[...], (LANES,))
    oi1_ref[...] = i1_ref[...].reshape(L * B)
    oi2_ref[...] = i2_ref[...].reshape(L * B)


def _pool_body(s1, s2, idx1, idx2, bvec, out, idx_v, vals_v, out_v, b_v,
               s_sh, sem):
    c = lax.axis_index("c")
    s = lax.axis_index("s")
    base = s * ROWS_PER_W

    @pl.when(jnp.logical_and(c == 0, s == 0))
    def _():
        pltpu.sync_copy(s1, s_sh)

    @pl.when(jnp.logical_and(c == 1, s == 0))
    def _():
        pltpu.sync_copy(s2, s_sh)

    @pl.when(c == 0)
    def _():
        copies = [pltpu.async_copy(
            idx1.at[pl.ds(j * B + base, ROWS_PER_W)],
            idx_v.at[pl.ds(j * ROWS_PER_W, ROWS_PER_W)], sem)
            for j in range(L)]
        for cp in copies:
            cp.wait()

    @pl.when(c == 1)
    def _():
        copies = [pltpu.async_copy(
            idx2.at[pl.ds(j * B + base, ROWS_PER_W)],
            idx_v.at[pl.ds(j * ROWS_PER_W, ROWS_PER_W)], sem)
            for j in range(L)]
        for cp in copies:
            cp.wait()

    plsc.subcore_barrier()
    pltpu.async_copy(s_sh.at[idx_v], vals_v, sem).wait()

    pltpu.sync_copy(bvec, b_v)
    bias = b_v[...]

    def rc_body(rc, carry):
        off = rc * LANES
        acc = bias
        for j in range(L):
            acc = acc + vals_v[pl.ds(j * ROWS_PER_W + off, LANES)]
        out_v[pl.ds(off, LANES)] = acc
        return carry

    lax.fori_loop(0, RCHUNKS, rc_body, 0)
    pltpu.sync_copy(out_v, out.at[pl.ds(c * B + base, ROWS_PER_W)])


def kernel(indices_f1, indices_f2, table_f1, table_f2, W, b):
    s1, s2, bvec, idx1f, idx2f = pl.pallas_call(
        _project_body,
        out_shape=[jax.ShapeDtypeStruct((V,), jnp.float32)] * 2
        + [jax.ShapeDtypeStruct((LANES,), jnp.float32)]
        + [jax.ShapeDtypeStruct((L * B,), jnp.int32)] * 2,
    )(table_f1.T, table_f2.T, W.reshape(D), b, indices_f1.T, indices_f2.T)

    mesh = plsc.VectorSubcoreMesh(core_axis_name="c", subcore_axis_name="s")
    pool = pl.kernel(
        _pool_body,
        mesh=mesh,
        out_type=jax.ShapeDtypeStruct((2 * B,), jnp.float32),
        compiler_params=pltpu.CompilerParams(needs_layout_passes=False),
        scratch_types=[
            pltpu.VMEM((ROWS_PER_W * L,), jnp.int32),
            pltpu.VMEM((ROWS_PER_W * L,), jnp.float32),
            pltpu.VMEM((ROWS_PER_W,), jnp.float32),
            pltpu.VMEM((LANES,), jnp.float32),
            pltpu.VMEM_SHARED((V,), jnp.float32),
            pltpu.SemaphoreType.DMA,
        ],
    )
    out = pool(s1, s2, idx1f, idx2f, bvec)
    return out.reshape(2 * B, 1)

# --- scband reference (transcript-rebuilt; emitter-appended) ---
"""Pipeline reference for scband-test-model-71081708748963 (READ-ONLY COPY).

The authoritative reference and input builder live on the scoring server;
editing this copy changes nothing except your own understanding.
"""

import jax, jax.numpy as jnp
import numpy as np

B, L, V, D = 4096, 20, 100000, 4

def setup_inputs(seed: int = 0) -> dict:
    key = jax.random.key(seed)
    k1, k2, k3, k4, k5, k6 = jax.random.split(key, 6)
    indices_f1 = jax.random.randint(k1, (B, L), 0, V, dtype=jnp.int64 if jax.config.jax_enable_x64 else jnp.int32).astype(jnp.int32)
    indices_f2 = jax.random.randint(k2, (B, L), 0, V, dtype=jnp.int64 if jax.config.jax_enable_x64 else jnp.int32).astype(jnp.int32)
    table_f1 = jax.random.normal(k3, (V, D), dtype=jnp.float32) * 0.01
    table_f2 = jax.random.normal(k4, (V, D), dtype=jnp.float32) * 0.01
    W = jax.random.normal(k5, (1, D), dtype=jnp.float32) * (1.0 / np.sqrt(D))
    b = jax.random.normal(k6, (1,), dtype=jnp.float32) * 0.01
    return {"indices_f1": indices_f1, "indices_f2": indices_f2, "table_f1": table_f1, "table_f2": table_f2, "W": W, "b": b}

def reference(indices_f1, indices_f2, table_f1, table_f2, W, b):
    # EmbeddingBagCollection: per-key sum-pooled embedding lookup.
    # KJT key 'f1' -> pooled [B, D]; key 'f2' -> pooled [B, D].
    pooled_f1 = jnp.take(table_f1, indices_f1, axis=0).sum(axis=1)  # [B, D]
    pooled_f2 = jnp.take(table_f2, indices_f2, axis=0).sum(axis=1)  # [B, D]
    # torch.cat(sparse_features, dim=0) in kjt.keys() order -> [2B, D]
    sparse_features = jnp.concatenate([pooled_f1, pooled_f2], axis=0)
    # over_arch: Linear(4, 1)
    return sparse_features @ W.T + b  # [2B, 1]

if __name__ == "__main__":
    import jax
    _d = setup_inputs()
    print(jax.jit(kernel)(*tuple(_d.values())))

</pallas_src>

<mosaic_0001>
#map = affine_map<(d0, d1) -> (0)>
module attributes {stable_mosaic.version = 14 : i64} {
  func.func @_pool_body(%arg0: i32, %arg1: i32, %arg2: memref<100000xf32, #tpu.memory_space<hbm>>, %arg3: memref<100000xf32, #tpu.memory_space<hbm>>, %arg4: memref<81920xi32, #tpu.memory_space<hbm>>, %arg5: memref<81920xi32, #tpu.memory_space<hbm>>, %arg6: memref<16xf32, #tpu.memory_space<hbm>>, %arg7: memref<8192xf32, #tpu.memory_space<hbm>>, %arg8: memref<5120xi32, #tpu.memory_space<vmem>>, %arg9: memref<5120xf32, #tpu.memory_space<vmem>>, %arg10: memref<256xf32, #tpu.memory_space<vmem>>, %arg11: memref<16xf32, #tpu.memory_space<vmem>>, %arg12: memref<100000xf32, #tpu.memory_space<vmem_shared>>, %arg13: memref<!tpu.dma_semaphore, #tpu.memory_space<semaphore_mem>>) attributes {dimension_semantics = [#tpu.dimension_semantics<core_parallel>, #tpu.dimension_semantics<subcore_parallel>], iteration_bounds = array<i64: 2, 16>, scalar_prefetch = 0 : i64, scratch_operands = 6 : i64, tpu.core_type = #tpu.core_type<sc_vector_subcore>, window_params = [{transform_indices = #map}, {transform_indices = #map}, {transform_indices = #map}, {transform_indices = #map}, {transform_indices = #map}, {transform_indices = #map}]} {
    %mul3A = arith.constant 256 : i32
    %mul3A_0 = arith.muli %arg1, %mul3A : i32
    %eq3A = arith.constant 0 : i32
    %eq3A_1 = arith.cmpi eq, %arg0, %eq3A : i32
    %eq3A_2 = arith.constant 0 : i32
    %eq3A_3 = arith.cmpi eq, %arg1, %eq3A_2 : i32
    %and3A = arith.andi %eq3A_1, %eq3A_3 : i1
    %convert_element_type3A = arith.extui %and3A : i1 to i32
    %cond3A = arith.constant 0 : i32
    %cond3A_4 = arith.cmpi ne, %convert_element_type3A, %cond3A : i32
    scf.if %cond3A_4 {
      "tpu.region"() ({
        %run_scoped3A = tpu.sem_alloc : memref<!tpu.dma_semaphore, #tpu.memory_space<semaphore_mem>>
        tpu.enqueue_dma source(%arg2 : memref<100000xf32, #tpu.memory_space<hbm>>) target(%arg12 : memref<100000xf32, #tpu.memory_space<vmem_shared>>) target_semaphore(%run_scoped3A : memref<!tpu.dma_semaphore, #tpu.memory_space<semaphore_mem>>)
        tpu.wait_dma2 semaphore(%run_scoped3A : memref<!tpu.dma_semaphore, #tpu.memory_space<semaphore_mem>>) src(%arg2 : memref<100000xf32, #tpu.memory_space<hbm>>) dst(%arg12 : memref<100000xf32, #tpu.memory_space<vmem_shared>>)
        tpu.yield
      }) : () -> ()
    } else {
    }
    %eq3A_5 = arith.constant 1 : i32
    %eq3A_6 = arith.cmpi eq, %arg0, %eq3A_5 : i32
    %eq3A_7 = arith.constant 0 : i32
    %eq3A_8 = arith.cmpi eq, %arg1, %eq3A_7 : i32
    %and3A_9 = arith.andi %eq3A_6, %eq3A_8 : i1
    %convert_element_type3A_10 = arith.extui %and3A_9 : i1 to i32
    %cond3A_11 = arith.constant 0 : i32
    %cond3A_12 = arith.cmpi ne, %convert_element_type3A_10, %cond3A_11 : i32
    scf.if %cond3A_12 {
      "tpu.region"() ({
        %run_scoped3A = tpu.sem_alloc : memref<!tpu.dma_semaphore, #tpu.memory_space<semaphore_mem>>
        tpu.enqueue_dma source(%arg3 : memref<100000xf32, #tpu.memory_space<hbm>>) target(%arg12 : memref<100000xf32, #tpu.memory_space<vmem_shared>>) target_semaphore(%run_scoped3A : memref<!tpu.dma_semaphore, #tpu.memory_space<semaphore_mem>>)
        tpu.wait_dma2 semaphore(%run_scoped3A : memref<!tpu.dma_semaphore, #tpu.memory_space<semaphore_mem>>) src(%arg3 : memref<100000xf32, #tpu.memory_space<hbm>>) dst(%arg12 : memref<100000xf32, #tpu.memory_space<vmem_shared>>)
        tpu.yield
      }) : () -> ()
    } else {
    }
    %eq3A_13 = arith.constant 0 : i32
    %eq3A_14 = arith.cmpi eq, %arg0, %eq3A_13 : i32
    %convert_element_type3A_15 = arith.extui %eq3A_14 : i1 to i32
    %cond3A_16 = arith.constant 0 : i32
    %cond3A_17 = arith.cmpi ne, %convert_element_type3A_15, %cond3A_16 : i32
    scf.if %cond3A_17 {
      %add3A_33 = arith.constant 0 : i32
      %add3A_34 = arith.addi %add3A_33, %mul3A_0 : i32
      %dma_start3A_35 = arith.constant 0 : i32
      %dma_start3A_36 = tpu.memref_slice %arg8[%dma_start3A_35] : memref<5120xi32, #tpu.memory_space<vmem>> -> memref<256xi32, #tpu.memory_space<vmem>>
      %dma_start3A_37 = tpu.memref_slice %arg4[%add3A_34] : memref<81920xi32, #tpu.memory_space<hbm>> -> memref<256xi32, #tpu.memory_space<hbm>>
      %dma_start3A_38 = arith.constant 0 : i32
      %dma_start3A_39 = tpu.memref_slice %arg8[%dma_start3A_38] : memref<5120xi32, #tpu.memory_space<vmem>> -> memref<256xi32, #tpu.memory_space<vmem>>
      %dma_start3A_40 = tpu.memref_slice %arg4[%add3A_34] : memref<81920xi32, #tpu.memory_space<hbm>> -> memref<256xi32, #tpu.memory_space<hbm>>
      tpu.enqueue_dma source(%dma_start3A_40 : memref<256xi32, #tpu.memory_space<hbm>>) target(%dma_start3A_39 : memref<256xi32, #tpu.memory_space<vmem>>) target_semaphore(%arg13 : memref<!tpu.dma_semaphore, #tpu.memory_space<semaphore_mem>>)
      %add3A_41 = arith.constant 4096 : i32
      %add3A_42 = arith.addi %add3A_41, %mul3A_0 : i32
      %dma_start3A_43 = arith.constant 256 : i32
      %dma_start3A_44 = tpu.memref_slice %arg8[%dma_start3A_43] : memref<5120xi32, #tpu.memory_space<vmem>> -> memref<256xi32, #tpu.memory_space<vmem>>
      %dma_start3A_45 = tpu.memref_slice %arg4[%add3A_42] : memref<81920xi32, #tpu.memory_space<hbm>> -> memref<256xi32, #tpu.memory_space<hbm>>
      %dma_start3A_46 = arith.constant 256 : i32
      %dma_start3A_47 = tpu.memref_slice %arg8[%dma_start3A_46] : memref<5120xi32, #tpu.memory_space<vmem>> -> memref<256xi32, #tpu.memory_space<vmem>>
      %dma_start3A_48 = tpu.memref_slice %arg4[%add3A_42] : memref<81920xi32, #tpu.memory_space<hbm>> -> memref<256xi32, #tpu.memory_space<hbm>>
      tpu.enqueue_dma source(%dma_start3A_48 : memref<256xi32, #tpu.memory_space<hbm>>) target(%dma_start3A_47 : memref<256xi32, #tpu.memory_space<vmem>>) target_semaphore(%arg13 : memref<!tpu.dma_semaphore, #tpu.memory_space<semaphore_mem>>)
      %add3A_49 = arith.constant 8192 : i32
      %add3A_50 = arith.addi %add3A_49, %mul3A_0 : i32
      %dma_start3A_51 = arith.constant 512 : i32
      %dma_start3A_52 = tpu.memref_slice %arg8[%dma_start3A_51] : memref<5120xi32, #tpu.memory_space<vmem>> -> memref<256xi32, #tpu.memory_space<vmem>>
      %dma_start3A_53 = tpu.memref_slice %arg4[%add3A_50] : memref<81920xi32, #tpu.memory_space<hbm>> -> memref<256xi32, #tpu.memory_space<hbm>>
      %dma_start3A_54 = arith.constant 512 : i32
      %dma_start3A_55 = tpu.memref_slice %arg8[%dma_start3A_54] : memref<5120xi32, #tpu.memory_space<vmem>> -> memref<256xi32, #tpu.memory_space<vmem>>
      %dma_start3A_56 = tpu.memref_slice %arg4[%add3A_50] : memref<81920xi32, #tpu.memory_space<hbm>> -> memref<256xi32, #tpu.memory_space<hbm>>
      tpu.enqueue_dma source(%dma_start3A_56 : memref<256xi32, #tpu.memory_space<hbm>>) target(%dma_start3A_55 : memref<256xi32, #tpu.memory_space<vmem>>) target_semaphore(%arg13 : memref<!tpu.dma_semaphore, #tpu.memory_space<semaphore_mem>>)
      %add3A_57 = arith.constant 12288 : i32
      %add3A_58 = arith.addi %add3A_57, %mul3A_0 : i32
      %dma_start3A_59 = arith.constant 768 : i32
      %dma_start3A_60 = tpu.memref_slice %arg8[%dma_start3A_59] : memref<5120xi32, #tpu.memory_space<vmem>> -> memref<256xi32, #tpu.memory_space<vmem>>
      %dma_start3A_61 = tpu.memref_slice %arg4[%add3A_58] : memref<81920xi32, #tpu.memory_space<hbm>> -> memref<256xi32, #tpu.memory_space<hbm>>
      %dma_start3A_62 = arith.constant 768 : i32
      %dma_start3A_63 = tpu.memref_slice %arg8[%dma_start3A_62] : memref<5120xi32, #tpu.memory_space<vmem>> -> memref<256xi32, #tpu.memory_space<vmem>>
      %dma_start3A_64 = tpu.memref_slice %arg4[%add3A_58] : memref<81920xi32, #tpu.memory_space<hbm>> -> memref<256xi32, #tpu.memory_space<hbm>>
      tpu.enqueue_dma source(%dma_start3A_64 : memref<256xi32, #tpu.memory_space<hbm>>) target(%dma_start3A_63 : memref<256xi32, #tpu.memory_space<vmem>>) target_semaphore(%arg13 : memref<!tpu.dma_semaphore, #tpu.memory_space<semaphore_mem>>)
      %add3A_65 = arith.constant 16384 : i32
      %add3A_66 = arith.addi %add3A_65, %mul3A_0 : i32
      %dma_start3A_67 = arith.constant 1024 : i32
      %dma_start3A_68 = tpu.memref_slice %arg8[%dma_start3A_67] : memref<5120xi32, #tpu.memory_space<vmem>> -> memref<256xi32, #tpu.memory_space<vmem>>
      %dma_start3A_69 = tpu.memref_slice %arg4[%add3A_66] : memref<81920xi32, #tpu.memory_space<hbm>> -> memref<256xi32, #tpu.memory_space<hbm>>
      %dma_start3A_70 = arith.constant 1024 : i32
      %dma_start3A_71 = tpu.memref_slice %arg8[%dma_start3A_70] : memref<5120xi32, #tpu.memory_space<vmem>> -> memref<256xi32, #tpu.memory_space<vmem>>
      %dma_start3A_72 = tpu.memref_slice %arg4[%add3A_66] : memref<81920xi32, #tpu.memory_space<hbm>> -> memref<256xi32, #tpu.memory_space<hbm>>
      tpu.enqueue_dma source(%dma_start3A_72 : memref<256xi32, #tpu.memory_space<hbm>>) target(%dma_start3A_71 : memref<256xi32, #tpu.memory_space<vmem>>) target_semaphore(%arg13 : memref<!tpu.dma_semaphore, #tpu.memory_space<semaphore_mem>>)
      %add3A_73 = arith.constant 20480 : i32
      %add3A_74 = arith.addi %add3A_73, %mul3A_0 : i32
      %dma_start3A_75 = arith.constant 1280 : i32
      %dma_start3A_76 = tpu.memref_slice %arg8[%dma_start3A_75] : memref<5120xi32, #tpu.memory_space<vmem>> -> memref<256xi32, #tpu.memory_space<vmem>>
      %dma_start3A_77 = tpu.memref_slice %arg4[%add3A_74] : memref<81920xi32, #tpu.memory_space<hbm>> -> memref<256xi32, #tpu.memory_space<hbm>>
      %dma_start3A_78 = arith.constant 1280 : i32
      %dma_start3A_79 = tpu.memref_slice %arg8[%dma_start3A_78] : memref<5120xi32, #tpu.memory_space<vmem>> -> memref<256xi32, #tpu.memory_space<vmem>>
      %dma_start3A_80 = tpu.memref_slice %arg4[%add3A_74] : memref<81920xi32, #tpu.memory_space<hbm>> -> memref<256xi32, #tpu.memory_space<hbm>>
      tpu.enqueue_dma source(%dma_start3A_80 : memref<256xi32, #tpu.memory_space<hbm>>) target(%dma_start3A_79 : memref<256xi32, #tpu.memory_space<vmem>>) target_semaphore(%arg13 : memref<!tpu.dma_semaphore, #tpu.memory_space<semaphore_mem>>)
      %add3A_81 = arith.constant 24576 : i32
      %add3A_82 = arith.addi %add3A_81, %mul3A_0 : i32
      %dma_start3A_83 = arith.constant 1536 : i32
      %dma_start3A_84 = tpu.memref_slice %arg8[%dma_start3A_83] : memref<5120xi32, #tpu.memory_space<vmem>> -> memref<256xi32, #tpu.memory_space<vmem>>
      %dma_start3A_85 = tpu.memref_slice %arg4[%add3A_82] : memref<81920xi32, #tpu.memory_space<hbm>> -> memref<256xi32, #tpu.memory_space<hbm>>
      %dma_start3A_86 = arith.constant 1536 : i32
      %dma_start3A_87 = tpu.memref_slice %arg8[%dma_start3A_86] : memref<5120xi32, #tpu.memory_space<vmem>> -> memref<256xi32, #tpu.memory_space<vmem>>
      %dma_start3A_88 = tpu.memref_slice %arg4[%add3A_82] : memref<81920xi32, #tpu.memory_space<hbm>> -> memref<256xi32, #tpu.memory_space<hbm>>
      tpu.enqueue_dma source(%dma_start3A_88 : memref<256xi32, #tpu.memory_space<hbm>>) target(%dma_start3A_87 : memref<256xi32, #tpu.memory_space<vmem>>) target_semaphore(%arg13 : memref<!tpu.dma_semaphore, #tpu.memory_space<semaphore_mem>>)
      %add3A_89 = arith.constant 28672 : i32
      %add3A_90 = arith.addi %add3A_89, %mul3A_0 : i32
      %dma_start3A_91 = arith.constant 1792 : i32
      %dma_start3A_92 = tpu.memref_slice %arg8[%dma_start3A_91] : memref<5120xi32, #tpu.memory_space<vmem>> -> memref<256xi32, #tpu.memory_space<vmem>>
      %dma_start3A_93 = tpu.memref_slice %arg4[%add3A_90] : memref<81920xi32, #tpu.memory_space<hbm>> -> memref<256xi32, #tpu.memory_space<hbm>>
      %dma_start3A_94 = arith.constant 1792 : i32
      %dma_start3A_95 = tpu.memref_slice %arg8[%dma_start3A_94] : memref<5120xi32, #tpu.memory_space<vmem>> -> memref<256xi32, #tpu.memory_space<vmem>>
      %dma_start3A_96 = tpu.memref_slice %arg4[%add3A_90] : memref<81920xi32, #tpu.memory_space<hbm>> -> memref<256xi32, #tpu.memory_space<hbm>>
      tpu.enqueue_dma source(%dma_start3A_96 : memref<256xi32, #tpu.memory_space<hbm>>) target(%dma_start3A_95 : memref<256xi32, #tpu.memory_space<vmem>>) target_semaphore(%arg13 : memref<!tpu.dma_semaphore, #tpu.memory_space<semaphore_mem>>)
      %add3A_97 = arith.constant 32768 : i32
      %add3A_98 = arith.addi %add3A_97, %mul3A_0 : i32
      %dma_start3A_99 = arith.constant 2048 : i32
      %dma_start3A_100 = tpu.memref_slice %arg8[%dma_start3A_99] : memref<5120xi32, #tpu.memory_space<vmem>> -> memref<256xi32, #tpu.memory_space<vmem>>
      %dma_start3A_101 = tpu.memref_slice %arg4[%add3A_98] : memref<81920xi32, #tpu.memory_space<hbm>> -> memref<256xi32, #tpu.memory_space<hbm>>
      %dma_start3A_102 = arith.constant 2048 : i32
      %dma_start3A_103 = tpu.memref_slice %arg8[%dma_start3A_102] : memref<5120xi32, #tpu.memory_space<vmem>> -> memref<256xi32, #tpu.memory_space<vmem>>
      %dma_start3A_104 = tpu.memref_slice %arg4[%add3A_98] : memref<81920xi32, #tpu.memory_space<hbm>> -> memref<256xi32, #tpu.memory_space<hbm>>
      tpu.enqueue_dma source(%dma_start3A_104 : memref<256xi32, #tpu.memory_space<hbm>>) target(%dma_start3A_103 : memref<256xi32, #tpu.memory_space<vmem>>) target_semaphore(%arg13 : memref<!tpu.dma_semaphore, #tpu.memory_space<semaphore_mem>>)
      %add3A_105 = arith.constant 36864 : i32
      %add3A_106 = arith.addi %add3A_105, %mul3A_0 : i32
      %dma_start3A_107 = arith.constant 2304 : i32
      %dma_start3A_108 = tpu.memref_slice %arg8[%dma_start3A_107] : memref<5120xi32, #tpu.memory_space<vmem>> -> memref<256xi32, #tpu.memory_space<vmem>>
      %dma_start3A_109 = tpu.memref_slice %arg4[%add3A_106] : memref<81920xi32, #tpu.memory_space<hbm>> -> memref<256xi32, #tpu.memory_space<hbm>>
      %dma_start3A_110 = arith.constant 2304 : i32
      %dma_start3A_111 = tpu.memref_slice %arg8[%dma_start3A_110] : memref<5120xi32, #tpu.memory_space<vmem>> -> memref<256xi32, #tpu.memory_space<vmem>>
      %dma_start3A_112 = tpu.memref_slice %arg4[%add3A_106] : memref<81920xi32, #tpu.memory_space<hbm>> -> memref<256xi32, #tpu.memory_space<hbm>>
      tpu.enqueue_dma source(%dma_start3A_112 : memref<256xi32, #tpu.memory_space<hbm>>) target(%dma_start3A_111 : memref<256xi32, #tpu.memory_space<vmem>>) target_semaphore(%arg13 : memref<!tpu.dma_semaphore, #tpu.memory_space<semaphore_mem>>)
      %add3A_113 = arith.constant 40960 : i32
      %add3A_114 = arith.addi %add3A_113, %mul3A_0 : i32
      %dma_start3A_115 = arith.constant 2560 : i32
      %dma_start3A_116 = tpu.memref_slice %arg8[%dma_start3A_115] : memref<5120xi32, #tpu.memory_space<vmem>> -> memref<256xi32, #tpu.memory_space<vmem>>
      %dma_start3A_117 = tpu.memref_slice %arg4[%add3A_114] : memref<81920xi32, #tpu.memory_space<hbm>> -> memref<256xi32, #tpu.memory_space<hbm>>
      %dma_start3A_118 = arith.constant 2560 : i32
      %dma_start3A_119 = tpu.memref_slice %arg8[%dma_start3A_118] : memref<5120xi32, #tpu.memory_space<vmem>> -> memref<256xi32, #tpu.memory_space<vmem>>
      %dma_start3A_120 = tpu.memref_slice %arg4[%add3A_114] : memref<81920xi32, #tpu.memory_space<hbm>> -> memref<256xi32, #tpu.memory_space<hbm>>
      tpu.enqueue_dma source(%dma_start3A_120 : memref<256xi32, #tpu.memory_space<hbm>>) target(%dma_start3A_119 : memref<256xi32, #tpu.memory_space<vmem>>) target_semaphore(%arg13 : memref<!tpu.dma_semaphore, #tpu.memory_space<semaphore_mem>>)
      %add3A_121 = arith.constant 45056 : i32
      %add3A_122 = arith.addi %add3A_121, %mul3A_0 : i32
      %dma_start3A_123 = arith.constant 2816 : i32
      %dma_start3A_124 = tpu.memref_slice %arg8[%dma_start3A_123] : memref<5120xi32, #tpu.memory_space<vmem>> -> memref<256xi32, #tpu.memory_space<vmem>>
      %dma_start3A_125 = tpu.memref_slice %arg4[%add3A_122] : memref<81920xi32, #tpu.memory_space<hbm>> -> memref<256xi32, #tpu.memory_space<hbm>>
      %dma_start3A_126 = arith.constant 2816 : i32
      %dma_start3A_127 = tpu.memref_slice %arg8[%dma_start3A_126] : memref<5120xi32, #tpu.memory_space<vmem>> -> memref<256xi32, #tpu.memory_space<vmem>>
      %dma_start3A_128 = tpu.memref_slice %arg4[%add3A_122] : memref<81920xi32, #tpu.memory_space<hbm>> -> memref<256xi32, #tpu.memory_space<hbm>>
      tpu.enqueue_dma source(%dma_start3A_128 : memref<256xi32, #tpu.memory_space<hbm>>) target(%dma_start3A_127 : memref<256xi32, #tpu.memory_space<vmem>>) target_semaphore(%arg13 : memref<!tpu.dma_semaphore, #tpu.memory_space<semaphore_mem>>)
      %add3A_129 = arith.constant 49152 : i32
      %add3A_130 = arith.addi %add3A_129, %mul3A_0 : i32
      %dma_start3A_131 = arith.constant 3072 : i32
      %dma_start3A_132 = tpu.memref_slice %arg8[%dma_start3A_131] : memref<5120xi32, #tpu.memory_space<vmem>> -> memref<256xi32, #tpu.memory_space<vmem>>
      %dma_start3A_133 = tpu.memref_slice %arg4[%add3A_130] : memref<81920xi32, #tpu.memory_space<hbm>> -> memref<256xi32, #tpu.memory_space<hbm>>
      %dma_start3A_134 = arith.constant 3072 : i32
      %dma_start3A_135 = tpu.memref_slice %arg8[%dma_start3A_134] : memref<5120xi32, #tpu.memory_space<vmem>> -> memref<256xi32, #tpu.memory_space<vmem>>
      %dma_start3A_136 = tpu.memref_slice %arg4[%add3A_130] : memref<81920xi32, #tpu.memory_space<hbm>> -> memref<256xi32, #tpu.memory_space<hbm>>
      tpu.enqueue_dma source(%dma_start3A_136 : memref<256xi32, #tpu.memory_space<hbm>>) target(%dma_start3A_135 : memref<256xi32, #tpu.memory_space<vmem>>) target_semaphore(%arg13 : memref<!tpu.dma_semaphore, #tpu.memory_space<semaphore_mem>>)
      %add3A_137 = arith.constant 53248 : i32
      %add3A_138 = arith.addi %add3A_137, %mul3A_0 : i32
      %dma_start3A_139 = arith.constant 3328 : i32
      %dma_start3A_140 = tpu.memref_slice %arg8[%dma_start3A_139] : memref<5120xi32, #tpu.memory_space<vmem>> -> memref<256xi32, #tpu.memory_space<vmem>>
      %dma_start3A_141 = tpu.memref_slice %arg4[%add3A_138] : memref<81920xi32, #tpu.memory_space<hbm>> -> memref<256xi32, #tpu.memory_space<hbm>>
      %dma_start3A_142 = arith.constant 3328 : i32
      %dma_start3A_143 = tpu.memref_slice %arg8[%dma_start3A_142] : memref<5120xi32, #tpu.memory_space<vmem>> -> memref<256xi32, #tpu.memory_space<vmem>>
      %dma_start3A_144 = tpu.memref_slice %arg4[%add3A_138] : memref<81920xi32, #tpu.memory_space<hbm>> -> memref<256xi32, #tpu.memory_space<hbm>>
      tpu.enqueue_dma source(%dma_start3A_144 : memref<256xi32, #tpu.memory_space<hbm>>) target(%dma_start3A_143 : memref<256xi32, #tpu.memory_space<vmem>>) target_semaphore(%arg13 : memref<!tpu.dma_semaphore, #tpu.memory_space<semaphore_mem>>)
      %add3A_145 = arith.constant 57344 : i32
      %add3A_146 = arith.addi %add3A_145, %mul3A_0 : i32
      %dma_start3A_147 = arith.constant 3584 : i32
      %dma_start3A_148 = tpu.memref_slice %arg8[%dma_start3A_147] : memref<5120xi32, #tpu.memory_space<vmem>> -> memref<256xi32, #tpu.memory_space<vmem>>
      %dma_start3A_149 = tpu.memref_slice %arg4[%add3A_146] : memref<81920xi32, #tpu.memory_space<hbm>> -> memref<256xi32, #tpu.memory_space<hbm>>
      %dma_start3A_150 = arith.constant 3584 : i32
      %dma_start3A_151 = tpu.memref_slice %arg8[%dma_start3A_150] : memref<5120xi32, #tpu.memory_space<vmem>> -> memref<256xi32, #tpu.memory_space<vmem>>
      %dma_start3A_152 = tpu.memref_slice %arg4[%add3A_146] : memref<81920xi32, #tpu.memory_space<hbm>> -> memref<256xi32, #tpu.memory_space<hbm>>
      tpu.enqueue_dma source(%dma_start3A_152 : memref<256xi32, #tpu.memory_space<hbm>>) target(%dma_start3A_151 : memref<256xi32, #tpu.memory_space<vmem>>) target_semaphore(%arg13 : memref<!tpu.dma_semaphore, #tpu.memory_space<semaphore_mem>>)
      %add3A_153 = arith.constant 61440 : i32
      %add3A_154 = arith.addi %add3A_153, %mul3A_0 : i32
      %dma_start3A_155 = arith.constant 3840 : i32
      %dma_start3A_156 = tpu.memref_slice %arg8[%dma_start3A_155] : memref<5120xi32, #tpu.memory_space<vmem>> -> memref<256xi32, #tpu.memory_space<vmem>>
      %dma_start3A_157 = tpu.memref_slice %arg4[%add3A_154] : memref<81920xi32, #tpu.memory_space<hbm>> -> memref<256xi32, #tpu.memory_space<hbm>>
      %dma_start3A_158 = arith.constant 3840 : i32
      %dma_start3A_159 = tpu.memref_slice %arg8[%dma_start3A_158] : memref<5120xi32, #tpu.memory_space<vmem>> -> memref<256xi32, #tpu.memory_space<vmem>>
      %dma_start3A_160 = tpu.memref_slice %arg4[%add3A_154] : memref<81920xi32, #tpu.memory_space<hbm>> -> memref<256xi32, #tpu.memory_space<hbm>>
      tpu.enqueue_dma source(%dma_start3A_160 : memref<256xi32, #tpu.memory_space<hbm>>) target(%dma_start3A_159 : memref<256xi32, #tpu.memory_space<vmem>>) target_semaphore(%arg13 : memref<!tpu.dma_semaphore, #tpu.memory_space<semaphore_mem>>)
      %add3A_161 = arith.constant 65536 : i32
      %add3A_162 = arith.addi %add3A_161, %mul3A_0 : i32
      %dma_start3A_163 = arith.constant 4096 : i32
      %dma_start3A_164 = tpu.memref_slice %arg8[%dma_start3A_163] : memref<5120xi32, #tpu.memory_space<vmem>> -> memref<256xi32, #tpu.memory_space<vmem>>
      %dma_start3A_165 = tpu.memref_slice %arg4[%add3A_162] : memref<81920xi32, #tpu.memory_space<hbm>> -> memref<256xi32, #tpu.memory_space<hbm>>
      %dma_start3A_166 = arith.constant 4096 : i32
      %dma_start3A_167 = tpu.memref_slice %arg8[%dma_start3A_166] : memref<5120xi32, #tpu.memory_space<vmem>> -> memref<256xi32, #tpu.memory_space<vmem>>
      %dma_start3A_168 = tpu.memref_slice %arg4[%add3A_162] : memref<81920xi32, #tpu.memory_space<hbm>> -> memref<256xi32, #tpu.memory_space<hbm>>
      tpu.enqueue_dma source(%dma_start3A_168 : memref<256xi32, #tpu.memory_space<hbm>>) target(%dma_start3A_167 : memref<256xi32, #tpu.memory_space<vmem>>) target_semaphore(%arg13 : memref<!tpu.dma_semaphore, #tpu.memory_space<semaphore_mem>>)
      %add3A_169 = arith.constant 69632 : i32
      %add3A_170 = arith.addi %add3A_169, %mul3A_0 : i32
      %dma_start3A_171 = arith.constant 4352 : i32
      %dma_start3A_172 = tpu.memref_slice %arg8[%dma_start3A_171] : memref<5120xi32, #tpu.memory_space<vmem>> -> memref<256xi32, #tpu.memory_space<vmem>>
      %dma_start3A_173 = tpu.memref_slice %arg4[%add3A_170] : memref<81920xi32, #tpu.memory_space<hbm>> -> memref<256xi32, #tpu.memory_space<hbm>>
      %dma_start3A_174 = arith.constant 4352 : i32
      %dma_start3A_175 = tpu.memref_slice %arg8[%dma_start3A_174] : memref<5120xi32, #tpu.memory_space<vmem>> -> memref<256xi32, #tpu.memory_space<vmem>>
      %dma_start3A_176 = tpu.memref_slice %arg4[%add3A_170] : memref<81920xi32, #tpu.memory_space<hbm>> -> memref<256xi32, #tpu.memory_space<hbm>>
      tpu.enqueue_dma source(%dma_start3A_176 : memref<256xi32, #tpu.memory_space<hbm>>) target(%dma_start3A_175 : memref<256xi32, #tpu.memory_space<vmem>>) target_semaphore(%arg13 : memref<!tpu.dma_semaphore, #tpu.memory_space<semaphore_mem>>)
      %add3A_177 = arith.constant 73728 : i32
      %add3A_178 = arith.addi %add3A_177, %mul3A_0 : i32
      %dma_start3A_179 = arith.constant 4608 : i32
      %dma_start3A_180 = tpu.memref_slice %arg8[%dma_start3A_179] : memref<5120xi32, #tpu.memory_space<vmem>> -> memref<256xi32, #tpu.memory_space<vmem>>
      %dma_start3A_181 = tpu.memref_slice %arg4[%add3A_178] : memref<81920xi32, #tpu.memory_space<hbm>> -> memref<256xi32, #tpu.memory_space<hbm>>
      %dma_start3A_182 = arith.constant 4608 : i32
      %dma_start3A_183 = tpu.memref_slice %arg8[%dma_start3A_182] : memref<5120xi32, #tpu.memory_space<vmem>> -> memref<256xi32, #tpu.memory_space<vmem>>
      %dma_start3A_184 = tpu.memref_slice %arg4[%add3A_178] : memref<81920xi32, #tpu.memory_space<hbm>> -> memref<256xi32, #tpu.memory_space<hbm>>
      tpu.enqueue_dma source(%dma_start3A_184 : memref<256xi32, #tpu.memory_space<hbm>>) target(%dma_start3A_183 : memref<256xi32, #tpu.memory_space<vmem>>) target_semaphore(%arg13 : memref<!tpu.dma_semaphore, #tpu.memory_space<semaphore_mem>>)
      %add3A_185 = arith.constant 77824 : i32
      %add3A_186 = arith.addi %add3A_185, %mul3A_0 : i32
      %dma_start3A_187 = arith.constant 4864 : i32
      %dma_start3A_188 = tpu.memref_slice %arg8[%dma_start3A_187] : memref<5120xi32, #tpu.memory_space<vmem>> -> memref<256xi32, #tpu.memory_space<vmem>>
      %dma_start3A_189 = tpu.memref_slice %arg4[%add3A_186] : memref<81920xi32, #tpu.memory_space<hbm>> -> memref<256xi32, #tpu.memory_space<hbm>>
      %dma_start3A_190 = arith.constant 4864 : i32
      %dma_start3A_191 = tpu.memref_slice %arg8[%dma_start3A_190] : memref<5120xi32, #tpu.memory_space<vmem>> -> memref<256xi32, #tpu.memory_space<vmem>>
      %dma_start3A_192 = tpu.memref_slice %arg4[%add3A_186] : memref<81920xi32, #tpu.memory_space<hbm>> -> memref<256xi32, #tpu.memory_space<hbm>>
      tpu.enqueue_dma source(%dma_start3A_192 : memref<256xi32, #tpu.memory_space<hbm>>) target(%dma_start3A_191 : memref<256xi32, #tpu.memory_space<vmem>>) target_semaphore(%arg13 : memref<!tpu.dma_semaphore, #tpu.memory_space<semaphore_mem>>)
      %dma_wait3A_193 = arith.constant 0 : i32
      %dma_wait3A_194 = tpu.memref_slice %arg8[%dma_wait3A_193] : memref<5120xi32, #tpu.memory_space<vmem>> -> memref<256xi32, #tpu.memory_space<vmem>>
      %dma_wait3A_195 = tpu.memref_slice %arg4[%add3A_34] : memref<81920xi32, #tpu.memory_space<hbm>> -> memref<256xi32, #tpu.memory_space<hbm>>
      %dma_wait3A_196 = arith.constant 0 : i32
      %dma_wait3A_197 = tpu.memref_slice %arg8[%dma_wait3A_196] : memref<5120xi32, #tpu.memory_space<vmem>> -> memref<256xi32, #tpu.memory_space<vmem>>
      %dma_wait3A_198 = tpu.memref_slice %arg4[%add3A_34] : memref<81920xi32, #tpu.memory_space<hbm>> -> memref<256xi32, #tpu.memory_space<hbm>>
      tpu.wait_dma2 semaphore(%arg13 : memref<!tpu.dma_semaphore, #tpu.memory_space<semaphore_mem>>) src(%dma_wait3A_198 : memref<256xi32, #tpu.memory_space<hbm>>) dst(%dma_wait3A_197 : memref<256xi32, #tpu.memory_space<vmem>>)
      %dma_wait3A_199 = arith.constant 256 : i32
      %dma_wait3A_200 = tpu.memref_slice %arg8[%dma_wait3A_199] : memref<5120xi32, #tpu.memory_space<vmem>> -> memref<256xi32, #tpu.memory_space<vmem>>
      %dma_wait3A_201 = tpu.memref_slice %arg4[%add3A_42] : memref<81920xi32, #tpu.memory_space<hbm>> -> memref<256xi32, #tpu.memory_space<hbm>>
      %dma_wait3A_202 = arith.constant 256 : i32
      %dma_wait3A_203 = tpu.memref_slice %arg8[%dma_wait3A_202] : memref<5120xi32, #tpu.memory_space<vmem>> -> memref<256xi32, #tpu.memory_space<vmem>>
      %dma_wait3A_204 = tpu.memref_slice %arg4[%add3A_42] : memref<81920xi32, #tpu.memory_space<hbm>> -> memref<256xi32, #tpu.memory_space<hbm>>
      tpu.wait_dma2 semaphore(%arg13 : memref<!tpu.dma_semaphore, #tpu.memory_space<semaphore_mem>>) src(%dma_wait3A_204 : memref<256xi32, #tpu.memory_space<hbm>>) dst(%dma_wait3A_203 : memref<256xi32, #tpu.memory_space<vmem>>)
      %dma_wait3A_205 = arith.constant 512 : i32
      %dma_wait3A_206 = tpu.memref_slice %arg8[%dma_wait3A_205] : memref<5120xi32, #tpu.memory_space<vmem>> -> memref<256xi32, #tpu.memory_space<vmem>>
      %dma_wait3A_207 = tpu.memref_slice %arg4[%add3A_50] : memref<81920xi32, #tpu.memory_space<hbm>> -> memref<256xi32, #tpu.memory_space<hbm>>
      %dma_wait3A_208 = arith.constant 512 : i32
      %dma_wait3A_209 = tpu.memref_slice %arg8[%dma_wait3A_208] : memref<5120xi32, #tpu.memory_space<vmem>> -> memref<256xi32, #tpu.memory_space<vmem>>
      %dma_wait3A_210 = tpu.memref_slice %arg4[%add3A_50] : memref<81920xi32, #tpu.memory_space<hbm>> -> memref<256xi32, #tpu.memory_space<hbm>>
      tpu.wait_dma2 semaphore(%arg13 : memref<!tpu.dma_semaphore, #tpu.memory_space<semaphore_mem>>) src(%dma_wait3A_210 : memref<256xi32, #tpu.memory_space<hbm>>) dst(%dma_wait3A_209 : memref<256xi32, #tpu.memory_space<vmem>>)
      %dma_wait3A_211 = arith.constant 768 : i32
      %dma_wait3A_212 = tpu.memref_slice %arg8[%dma_wait3A_211] : memref<5120xi32, #tpu.memory_space<vmem>> -> memref<256xi32, #tpu.memory_space<vmem>>
      %dma_wait3A_213 = tpu.memref_slice %arg4[%add3A_58] : memref<81920xi32, #tpu.memory_space<hbm>> -> memref<256xi32, #tpu.memory_space<hbm>>
      %dma_wait3A_214 = arith.constant 768 : i32
      %dma_wait3A_215 = tpu.memref_slice %arg8[%dma_wait3A_214] : memref<5120xi32, #tpu.memory_space<vmem>> -> memref<256xi32, #tpu.memory_space<vmem>>
      %dma_wait3A_216 = tpu.memref_slice %arg4[%add3A_58] : memref<81920xi32, #tpu.memory_space<hbm>> -> memref<256xi32, #tpu.memory_space<hbm>>
      tpu.wait_dma2 semaphore(%arg13 : memref<!tpu.dma_semaphore, #tpu.memory_space<semaphore_mem>>) src(%dma_wait3A_216 : memref<256xi32, #tpu.memory_space<hbm>>) dst(%dma_wait3A_215 : memref<256xi32, #tpu.memory_space<vmem>>)
      %dma_wait3A_217 = arith.constant 1024 : i32
      %dma_wait3A_218 = tpu.memref_slice %arg8[%dma_wait3A_217] : memref<5120xi32, #tpu.memory_space<vmem>> -> memref<256xi32, #tpu.memory_space<vmem>>
      %dma_wait3A_219 = tpu.memref_slice %arg4[%add3A_66] : memref<81920xi32, #tpu.memory_space<hbm>> -> memref<256xi32, #tpu.memory_space<hbm>>
      %dma_wait3A_220 = arith.constant 1024 : i32
      %dma_wait3A_221 = tpu.memref_slice %arg8[%dma_wait3A_220] : memref<5120xi32, #tpu.memory_space<vmem>> -> memref<256xi32, #tpu.memory_space<vmem>>
      %dma_wait3A_222 = tpu.memref_slice %arg4[%add3A_66] : memref<81920xi32, #tpu.memory_space<hbm>> -> memref<256xi32, #tpu.memory_space<hbm>>
      tpu.wait_dma2 semaphore(%arg13 : memref<!tpu.dma_semaphore, #tpu.memory_space<semaphore_mem>>) src(%dma_wait3A_222 : memref<256xi32, #tpu.memory_space<hbm>>) dst(%dma_wait3A_221 : memref<256xi32, #tpu.memory_space<vmem>>)
      %dma_wait3A_223 = arith.constant 1280 : i32
      %dma_wait3A_224 = tpu.memref_slice %arg8[%dma_wait3A_223] : memref<5120xi32, #tpu.memory_space<vmem>> -> memref<256xi32, #tpu.memory_space<vmem>>
      %dma_wait3A_225 = tpu.memref_slice %arg4[%add3A_74] : memref<81920xi32, #tpu.memory_space<hbm>> -> memref<256xi32, #tpu.memory_space<hbm>>
      %dma_wait3A_226 = arith.constant 1280 : i32
      %dma_wait3A_227 = tpu.memref_slice %arg8[%dma_wait3A_226] : memref<5120xi32, #tpu.memory_space<vmem>> -> memref<256xi32, #tpu.memory_space<vmem>>
      %dma_wait3A_228 = tpu.memref_slice %arg4[%add3A_74] : memref<81920xi32, #tpu.memory_space<hbm>> -> memref<256xi32, #tpu.memory_space<hbm>>
      tpu.wait_dma2 semaphore(%arg13 : memref<!tpu.dma_semaphore, #tpu.memory_space<semaphore_mem>>) src(%dma_wait3A_228 : memref<256xi32, #tpu.memory_space<hbm>>) dst(%dma_wait3A_227 : memref<256xi32, #tpu.memory_space<vmem>>)
      %dma_wait3A_229 = arith.constant 1536 : i32
      %dma_wait3A_230 = tpu.memref_slice %arg8[%dma_wait3A_229] : memref<5120xi32, #tpu.memory_space<vmem>> -> memref<256xi32, #tpu.memory_space<vmem>>
      %dma_wait3A_231 = tpu.memref_slice %arg4[%add3A_82] : memref<81920xi32, #tpu.memory_space<hbm>> -> memref<256xi32, #tpu.memory_space<hbm>>
      %dma_wait3A_232 = arith.constant 1536 : i32
      %dma_wait3A_233 = tpu.memref_slice %arg8[%dma_wait3A_232] : memref<5120xi32, #tpu.memory_space<vmem>> -> memref<256xi32, #tpu.memory_space<vmem>>
      %dma_wait3A_234 = tpu.memref_slice %arg4[%add3A_82] : memref<81920xi32, #tpu.memory_space<hbm>> -> memref<256xi32, #tpu.memory_space<hbm>>
      tpu.wait_dma2 semaphore(%arg13 : memref<!tpu.dma_semaphore, #tpu.memory_space<semaphore_mem>>) src(%dma_wait3A_234 : memref<256xi32, #tpu.memory_space<hbm>>) dst(%dma_wait3A_233 : memref<256xi32, #tpu.memory_space<vmem>>)
      %dma_wait3A_235 = arith.constant 1792 : i32
      %dma_wait3A_236 = tpu.memref_slice %arg8[%dma_wait3A_235] : memref<5120xi32, #tpu.memory_space<vmem>> -> memref<256xi32, #tpu.memory_space<vmem>>
      %dma_wait3A_237 = tpu.memref_slice %arg4[%add3A_90] : memref<81920xi32, #tpu.memory_space<hbm>> -> memref<256xi32, #tpu.memory_space<hbm>>
      %dma_wait3A_238 = arith.constant 1792 : i32
      %dma_wait3A_239 = tpu.memref_slice %arg8[%dma_wait3A_238] : memref<5120xi32, #tpu.memory_space<vmem>> -> memref<256xi32, #tpu.memory_space<vmem>>
      %dma_wait3A_240 = tpu.memref_slice %arg4[%add3A_90] : memref<81920xi32, #tpu.memory_space<hbm>> -> memref<256xi32, #tpu.memory_space<hbm>>
      tpu.wait_dma2 semaphore(%arg13 : memref<!tpu.dma_semaphore, #tpu.memory_space<semaphore_mem>>) src(%dma_wait3A_240 : memref<256xi32, #tpu.memory_space<hbm>>) dst(%dma_wait3A_239 : memref<256xi32, #tpu.memory_space<vmem>>)
      %dma_wait3A_241 = arith.constant 2048 : i32
      %dma_wait3A_242 = tpu.memref_slice %arg8[%dma_wait3A_241] : memref<5120xi32, #tpu.memory_space<vmem>> -> memref<256xi32, #tpu.memory_space<vmem>>
      %dma_wait3A_243 = tpu.memref_slice %arg4[%add3A_98] : memref<81920xi32, #tpu.memory_space<hbm>> -> memref<256xi32, #tpu.memory_space<hbm>>
      %dma_wait3A_244 = arith.constant 2048 : i32
      %dma_wait3A_245 = tpu.memref_slice %arg8[%dma_wait3A_244] : memref<5120xi32, #tpu.memory_space<vmem>> -> memref<256xi32, #tpu.memory_space<vmem>>
      %dma_wait3A_246 = tpu.memref_slice %arg4[%add3A_98] : memref<81920xi32, #tpu.memory_space<hbm>> -> memref<256xi32, #tpu.memory_space<hbm>>
      tpu.wait_dma2 semaphore(%arg13 : memref<!tpu.dma_semaphore, #tpu.memory_space<semaphore_mem>>) src(%dma_wait3A_246 : memref<256xi32, #tpu.memory_space<hbm>>) dst(%dma_wait3A_245 : memref<256xi32, #tpu.memory_space<vmem>>)
      %dma_wait3A_247 = arith.constant 2304 : i32
      %dma_wait3A_248 = tpu.memref_slice %arg8[%dma_wait3A_247] : memref<5120xi32, #tpu.memory_space<vmem>> -> memref<256xi32, #tpu.memory_space<vmem>>
      %dma_wait3A_249 = tpu.memref_slice %arg4[%add3A_106] : memref<81920xi32, #tpu.memory_space<hbm>> -> memref<256xi32, #tpu.memory_space<hbm>>
      %dma_wait3A_250 = arith.constant 2304 : i32
      %dma_wait3A_251 = tpu.memref_slice %arg8[%dma_wait3A_250] : memref<5120xi32, #tpu.memory_space<vmem>> -> memref<256xi32, #tpu.memory_space<vmem>>
      %dma_wait3A_252 = tpu.memref_slice %arg4[%add3A_106] : memref<81920xi32, #tpu.memory_space<hbm>> -> memref<256xi32, #tpu.memory_space<hbm>>
      tpu.wait_dma2 semaphore(%arg13 : memref<!tpu.dma_semaphore, #tpu.memory_space<semaphore_mem>>) src(%dma_wait3A_252 : memref<256xi32, #tpu.memory_space<hbm>>) dst(%dma_wait3A_251 : memref<256xi32, #tpu.memory_space<vmem>>)
      %dma_wait3A_253 = arith.constant 2560 : i32
      %dma_wait3A_254 = tpu.memref_slice %arg8[%dma_wait3A_253] : memref<5120xi32, #tpu.memory_space<vmem>> -> memref<256xi32, #tpu.memory_space<vmem>>
      %dma_wait3A_255 = tpu.memref_slice %arg4[%add3A_114] : memref<81920xi32, #tpu.memory_space<hbm>> -> memref<256xi32, #tpu.memory_space<hbm>>
      %dma_wait3A_256 = arith.constant 2560 : i32
      %dma_wait3A_257 = tpu.memref_slice %arg8[%dma_wait3A_256] : memref<5120xi32, #tpu.memory_space<vmem>> -> memref<256xi32, #tpu.memory_space<vmem>>
      %dma_wait3A_258 = tpu.memref_slice %arg4[%add3A_114] : memref<81920xi32, #tpu.memory_space<hbm>> -> memref<256xi32, #tpu.memory_space<hbm>>
      tpu.wait_dma2 semaphore(%arg13 : memref<!tpu.dma_semaphore, #tpu.memory_space<semaphore_mem>>) src(%dma_wait3A_258 : memref<256xi32, #tpu.memory_space<hbm>>) dst(%dma_wait3A_257 : memref<256xi32, #tpu.memory_space<vmem>>)
      %dma_wait3A_259 = arith.constant 2816 : i32
      %dma_wait3A_260 = tpu.memref_slice %arg8[%dma_wait3A_259] : memref<5120xi32, #tpu.memory_space<vmem>> -> memref<256xi32, #tpu.memory_space<vmem>>
      %dma_wait3A_261 = tpu.memref_slice %arg4[%add3A_122] : memref<81920xi32, #tpu.memory_space<hbm>> -> memref<256xi32, #tpu.memory_space<hbm>>
      %dma_wait3A_262 = arith.constant 2816 : i32
      %dma_wait3A_263 = tpu.memref_slice %arg8[%dma_wait3A_262] : memref<5120xi32, #tpu.memory_space<vmem>> -> memref<256xi32, #tpu.memory_space<vmem>>
      %dma_wait3A_264 = tpu.memref_slice %arg4[%add3A_122] : memref<81920xi32, #tpu.memory_space<hbm>> -> memref<256xi32, #tpu.memory_space<hbm>>
      tpu.wait_dma2 semaphore(%arg13 : memref<!tpu.dma_semaphore, #tpu.memory_space<semaphore_mem>>) src(%dma_wait3A_264 : memref<256xi32, #tpu.memory_space<hbm>>) dst(%dma_wait3A_263 : memref<256xi32, #tpu.memory_space<vmem>>)
      %dma_wait3A_265 = arith.constant 3072 : i32
      %dma_wait3A_266 = tpu.memref_slice %arg8[%dma_wait3A_265] : memref<5120xi32, #tpu.memory_space<vmem>> -> memref<256xi32, #tpu.memory_space<vmem>>
      %dma_wait3A_267 = tpu.memref_slice %arg4[%add3A_130] : memref<81920xi32, #tpu.memory_space<hbm>> -> memref<256xi32, #tpu.memory_space<hbm>>
      %dma_wait3A_268 = arith.constant 3072 : i32
      %dma_wait3A_269 = tpu.memref_slice %arg8[%dma_wait3A_268] : memref<5120xi32, #tpu.memory_space<vmem>> -> memref<256xi32, #tpu.memory_space<vmem>>
      %dma_wait3A_270 = tpu.memref_slice %arg4[%add3A_130] : memref<81920xi32, #tpu.memory_space<hbm>> -> memref<256xi32, #tpu.memory_space<hbm>>
      tpu.wait_dma2 semaphore(%arg13 : memref<!tpu.dma_semaphore, #tpu.memory_space<semaphore_mem>>) src(%dma_wait3A_270 : memref<256xi32, #tpu.memory_space<hbm>>) dst(%dma_wait3A_269 : memref<256xi32, #tpu.memory_space<vmem>>)
      %dma_wait3A_271 = arith.constant 3328 : i32
      %dma_wait3A_272 = tpu.memref_slice %arg8[%dma_wait3A_271] : memref<5120xi32, #tpu.memory_space<vmem>> -> memref<256xi32, #tpu.memory_space<vmem>>
      %dma_wait3A_273 = tpu.memref_slice %arg4[%add3A_138] : memref<81920xi32, #tpu.memory_space<hbm>> -> memref<256xi32, #tpu.memory_space<hbm>>
      %dma_wait3A_274 = arith.constant 3328 : i32
      %dma_wait3A_275 = tpu.memref_slice %arg8[%dma_wait3A_274] : memref<5120xi32, #tpu.memory_space<vmem>> -> memref<256xi32, #tpu.memory_space<vmem>>
      %dma_wait3A_276 = tpu.memref_slice %arg4[%add3A_138] : memref<81920xi32, #tpu.memory_space<hbm>> -> memref<256xi32, #tpu.memory_space<hbm>>
      tpu.wait_dma2 semaphore(%arg13 : memref<!tpu.dma_semaphore, #tpu.memory_space<semaphore_mem>>) src(%dma_wait3A_276 : memref<256xi32, #tpu.memory_space<hbm>>) dst(%dma_wait3A_275 : memref<256xi32, #tpu.memory_space<vmem>>)
      %dma_wait3A_277 = arith.constant 3584 : i32
      %dma_wait3A_278 = tpu.memref_slice %arg8[%dma_wait3A_277] : memref<5120xi32, #tpu.memory_space<vmem>> -> memref<256xi32, #tpu.memory_space<vmem>>
      %dma_wait3A_279 = tpu.memref_slice %arg4[%add3A_146] : memref<81920xi32, #tpu.memory_space<hbm>> -> memref<256xi32, #tpu.memory_space<hbm>>
      %dma_wait3A_280 = arith.constant 3584 : i32
      %dma_wait3A_281 = tpu.memref_slice %arg8[%dma_wait3A_280] : memref<5120xi32, #tpu.memory_space<vmem>> -> memref<256xi32, #tpu.memory_space<vmem>>
      %dma_wait3A_282 = tpu.memref_slice %arg4[%add3A_146] : memref<81920xi32, #tpu.memory_space<hbm>> -> memref<256xi32, #tpu.memory_space<hbm>>
      tpu.wait_dma2 semaphore(%arg13 : memref<!tpu.dma_semaphore, #tpu.memory_space<semaphore_mem>>) src(%dma_wait3A_282 : memref<256xi32, #tpu.memory_space<hbm>>) dst(%dma_wait3A_281 : memref<256xi32, #tpu.memory_space<vmem>>)
      %dma_wait3A_283 = arith.constant 3840 : i32
      %dma_wait3A_284 = tpu.memref_slice %arg8[%dma_wait3A_283] : memref<5120xi32, #tpu.memory_space<vmem>> -> memref<256xi32, #tpu.memory_space<vmem>>
      %dma_wait3A_285 = tpu.memref_slice %arg4[%add3A_154] : memref<81920xi32, #tpu.memory_space<hbm>> -> memref<256xi32, #tpu.memory_space<hbm>>
      %dma_wait3A_286 = arith.constant 3840 : i32
      %dma_wait3A_287 = tpu.memref_slice %arg8[%dma_wait3A_286] : memref<5120xi32, #tpu.memory_space<vmem>> -> memref<256xi32, #tpu.memory_space<vmem>>
      %dma_wait3A_288 = tpu.memref_slice %arg4[%add3A_154] : memref<81920xi32, #tpu.memory_space<hbm>> -> memref<256xi32, #tpu.memory_space<hbm>>
      tpu.wait_dma2 semaphore(%arg13 : memref<!tpu.dma_semaphore, #tpu.memory_space<semaphore_mem>>) src(%dma_wait3A_288 : memref<256xi32, #tpu.memory_space<hbm>>) dst(%dma_wait3A_287 : memref<256xi32, #tpu.memory_space<vmem>>)
      %dma_wait3A_289 = arith.constant 4096 : i32
      %dma_wait3A_290 = tpu.memref_slice %arg8[%dma_wait3A_289] : memref<5120xi32, #tpu.memory_space<vmem>> -> memref<256xi32, #tpu.memory_space<vmem>>
      %dma_wait3A_291 = tpu.memref_slice %arg4[%add3A_162] : memref<81920xi32, #tpu.memory_space<hbm>> -> memref<256xi32, #tpu.memory_space<hbm>>
      %dma_wait3A_292 = arith.constant 4096 : i32
      %dma_wait3A_293 = tpu.memref_slice %arg8[%dma_wait3A_292] : memref<5120xi32, #tpu.memory_space<vmem>> -> memref<256xi32, #tpu.memory_space<vmem>>
      %dma_wait3A_294 = tpu.memref_slice %arg4[%add3A_162] : memref<81920xi32, #tpu.memory_space<hbm>> -> memref<256xi32, #tpu.memory_space<hbm>>
      tpu.wait_dma2 semaphore(%arg13 : memref<!tpu.dma_semaphore, #tpu.memory_space<semaphore_mem>>) src(%dma_wait3A_294 : memref<256xi32, #tpu.memory_space<hbm>>) dst(%dma_wait3A_293 : memref<256xi32, #tpu.memory_space<vmem>>)
      %dma_wait3A_295 = arith.constant 4352 : i32
      %dma_wait3A_296 = tpu.memref_slice %arg8[%dma_wait3A_295] : memref<5120xi32, #tpu.memory_space<vmem>> -> memref<256xi32, #tpu.memory_space<vmem>>
      %dma_wait3A_297 = tpu.memref_slice %arg4[%add3A_170] : memref<81920xi32, #tpu.memory_space<hbm>> -> memref<256xi32, #tpu.memory_space<hbm>>
      %dma_wait3A_298 = arith.constant 4352 : i32
      %dma_wait3A_299 = tpu.memref_slice %arg8[%dma_wait3A_298] : memref<5120xi32, #tpu.memory_space<vmem>> -> memref<256xi32, #tpu.memory_space<vmem>>
      %dma_wait3A_300 = tpu.memref_slice %arg4[%add3A_170] : memref<81920xi32, #tpu.memory_space<hbm>> -> memref<256xi32, #tpu.memory_space<hbm>>
      tpu.wait_dma2 semaphore(%arg13 : memref<!tpu.dma_semaphore, #tpu.memory_space<semaphore_mem>>) src(%dma_wait3A_300 : memref<256xi32, #tpu.memory_space<hbm>>) dst(%dma_wait3A_299 : memref<256xi32, #tpu.memory_space<vmem>>)
      %dma_wait3A_301 = arith.constant 4608 : i32
      %dma_wait3A_302 = tpu.memref_slice %arg8[%dma_wait3A_301] : memref<5120xi32, #tpu.memory_space<vmem>> -> memref<256xi32, #tpu.memory_space<vmem>>
      %dma_wait3A_303 = tpu.memref_slice %arg4[%add3A_178] : memref<81920xi32, #tpu.memory_space<hbm>> -> memref<256xi32, #tpu.memory_space<hbm>>
      %dma_wait3A_304 = arith.constant 4608 : i32
      %dma_wait3A_305 = tpu.memref_slice %arg8[%dma_wait3A_304] : memref<5120xi32, #tpu.memory_space<vmem>> -> memref<256xi32, #tpu.memory_space<vmem>>
      %dma_wait3A_306 = tpu.memref_slice %arg4[%add3A_178] : memref<81920xi32, #tpu.memory_space<hbm>> -> memref<256xi32, #tpu.memory_space<hbm>>
      tpu.wait_dma2 semaphore(%arg13 : memref<!tpu.dma_semaphore, #tpu.memory_space<semaphore_mem>>) src(%dma_wait3A_306 : memref<256xi32, #tpu.memory_space<hbm>>) dst(%dma_wait3A_305 : memref<256xi32, #tpu.memory_space<vmem>>)
      %dma_wait3A_307 = arith.constant 4864 : i32
      %dma_wait3A_308 = tpu.memref_slice %arg8[%dma_wait3A_307] : memref<5120xi32, #tpu.memory_space<vmem>> -> memref<256xi32, #tpu.memory_space<vmem>>
      %dma_wait3A_309 = tpu.memref_slice %arg4[%add3A_186] : memref<81920xi32, #tpu.memory_space<hbm>> -> memref<256xi32, #tpu.memory_space<hbm>>
      %dma_wait3A_310 = arith.constant 4864 : i32
      %dma_wait3A_311 = tpu.memref_slice %arg8[%dma_wait3A_310] : memref<5120xi32, #tpu.memory_space<vmem>> -> memref<256xi32, #tpu.memory_space<vmem>>
      %dma_wait3A_312 = tpu.memref_slice %arg4[%add3A_186] : memref<81920xi32, #tpu.memory_space<hbm>> -> memref<256xi32, #tpu.memory_space<hbm>>
      tpu.wait_dma2 semaphore(%arg13 : memref<!tpu.dma_semaphore, #tpu.memory_space<semaphore_mem>>) src(%dma_wait3A_312 : memref<256xi32, #tpu.memory_space<hbm>>) dst(%dma_wait3A_311 : memref<256xi32, #tpu.memory_space<vmem>>)
    } else {
    }
    %eq3A_18 = arith.constant 1 : i32
    %eq3A_19 = arith.cmpi eq, %arg0, %eq3A_18 : i32
    %convert_element_type3A_20 = arith.extui %eq3A_19 : i1 to i32
    %cond3A_21 = arith.constant 0 : i32
    %cond3A_22 = arith.cmpi ne, %convert_element_type3A_20, %cond3A_21 : i32
    scf.if %cond3A_22 {
      %add3A_33 = arith.constant 0 : i32
      %add3A_34 = arith.addi %add3A_33, %mul3A_0 : i32
      %dma_start3A_35 = arith.constant 0 : i32
      %dma_start3A_36 = tpu.memref_slice %arg8[%dma_start3A_35] : memref<5120xi32, #tpu.memory_space<vmem>> -> memref<256xi32, #tpu.memory_space<vmem>>
      %dma_start3A_37 = tpu.memref_slice %arg5[%add3A_34] : memref<81920xi32, #tpu.memory_space<hbm>> -> memref<256xi32, #tpu.memory_space<hbm>>
      %dma_start3A_38 = arith.constant 0 : i32
      %dma_start3A_39 = tpu.memref_slice %arg8[%dma_start3A_38] : memref<5120xi32, #tpu.memory_space<vmem>> -> memref<256xi32, #tpu.memory_space<vmem>>
      %dma_start3A_40 = tpu.memref_slice %arg5[%add3A_34] : memref<81920xi32, #tpu.memory_space<hbm>> -> memref<256xi32, #tpu.memory_space<hbm>>
      tpu.enqueue_dma source(%dma_start3A_40 : memref<256xi32, #tpu.memory_space<hbm>>) target(%dma_start3A_39 : memref<256xi32, #tpu.memory_space<vmem>>) target_semaphore(%arg13 : memref<!tpu.dma_semaphore, #tpu.memory_space<semaphore_mem>>)
      %add3A_41 = arith.constant 4096 : i32
      %add3A_42 = arith.addi %add3A_41, %mul3A_0 : i32
      %dma_start3A_43 = arith.constant 256 : i32
      %dma_start3A_44 = tpu.memref_slice %arg8[%dma_start3A_43] : memref<5120xi32, #tpu.memory_space<vmem>> -> memref<256xi32, #tpu.memory_space<vmem>>
      %dma_start3A_45 = tpu.memref_slice %arg5[%add3A_42] : memref<81920xi32, #tpu.memory_space<hbm>> -> memref<256xi32, #tpu.memory_space<hbm>>
      %dma_start3A_46 = arith.constant 256 : i32
      %dma_start3A_47 = tpu.memref_slice %arg8[%dma_start3A_46] : memref<5120xi32, #tpu.memory_space<vmem>> -> memref<256xi32, #tpu.memory_space<vmem>>
      %dma_start3A_48 = tpu.memref_slice %arg5[%add3A_42] : memref<81920xi32, #tpu.memory_space<hbm>> -> memref<256xi32, #tpu.memory_space<hbm>>
      tpu.enqueue_dma source(%dma_start3A_48 : memref<256xi32, #tpu.memory_space<hbm>>) target(%dma_start3A_47 : memref<256xi32, #tpu.memory_space<vmem>>) target_semaphore(%arg13 : memref<!tpu.dma_semaphore, #tpu.memory_space<semaphore_mem>>)
      %add3A_49 = arith.constant 8192 : i32
      %add3A_50 = arith.addi %add3A_49, %mul3A_0 : i32
      %dma_start3A_51 = arith.constant 512 : i32
      %dma_start3A_52 = tpu.memref_slice %arg8[%dma_start3A_51] : memref<5120xi32, #tpu.memory_space<vmem>> -> memref<256xi32, #tpu.memory_space<vmem>>
      %dma_start3A_53 = tpu.memref_slice %arg5[%add3A_50] : memref<81920xi32, #tpu.memory_space<hbm>> -> memref<256xi32, #tpu.memory_space<hbm>>
      %dma_start3A_54 = arith.constant 512 : i32
      %dma_start3A_55 = tpu.memref_slice %arg8[%dma_start3A_54] : memref<5120xi32, #tpu.memory_space<vmem>> -> memref<256xi32, #tpu.memory_space<vmem>>
      %dma_start3A_56 = tpu.memref_slice %arg5[%add3A_50] : memref<81920xi32, #tpu.memory_space<hbm>> -> memref<256xi32, #tpu.memory_space<hbm>>
      tpu.enqueue_dma source(%dma_start3A_56 : memref<256xi32, #tpu.memory_space<hbm>>) target(%dma_start3A_55 : memref<256xi32, #tpu.memory_space<vmem>>) target_semaphore(%arg13 : memref<!tpu.dma_semaphore, #tpu.memory_space<semaphore_mem>>)
      %add3A_57 = arith.constant 12288 : i32
      %add3A_58 = arith.addi %add3A_57, %mul3A_0 : i32
      %dma_start3A_59 = arith.constant 768 : i32
      %dma_start3A_60 = tpu.memref_slice %arg8[%dma_start3A_59] : memref<5120xi32, #tpu.memory_space<vmem>> -> memref<256xi32, #tpu.memory_space<vmem>>
      %dma_start3A_61 = tpu.memref_slice %arg5[%add3A_58] : memref<81920xi32, #tpu.memory_space<hbm>> -> memref<256xi32, #tpu.memory_space<hbm>>
      %dma_start3A_62 = arith.constant 768 : i32
      %dma_start3A_63 = tpu.memref_slice %arg8[%dma_start3A_62] : memref<5120xi32, #tpu.memory_space<vmem>> -> memref<256xi32, #tpu.memory_space<vmem>>
      %dma_start3A_64 = tpu.memref_slice %arg5[%add3A_58] : memref<81920xi32, #tpu.memory_space<hbm>> -> memref<256xi32, #tpu.memory_space<hbm>>
      tpu.enqueue_dma source(%dma_start3A_64 : memref<256xi32, #tpu.memory_space<hbm>>) target(%dma_start3A_63 : memref<256xi32, #tpu.memory_space<vmem>>) target_semaphore(%arg13 : memref<!tpu.dma_semaphore, #tpu.memory_space<semaphore_mem>>)
      %add3A_65 = arith.constant 16384 : i32
      %add3A_66 = arith.addi %add3A_65, %mul3A_0 : i32
      %dma_start3A_67 = arith.constant 1024 : i32
      %dma_start3A_68 = tpu.memref_slice %arg8[%dma_start3A_67] : memref<5120xi32, #tpu.memory_space<vmem>> -> memref<256xi32, #tpu.memory_space<vmem>>
      %dma_start3A_69 = tpu.memref_slice %arg5[%add3A_66] : memref<81920xi32, #tpu.memory_space<hbm>> -> memref<256xi32, #tpu.memory_space<hbm>>
      %dma_start3A_70 = arith.constant 1024 : i32
      %dma_start3A_71 = tpu.memref_slice %arg8[%dma_start3A_70] : memref<5120xi32, #tpu.memory_space<vmem>> -> memref<256xi32, #tpu.memory_space<vmem>>
      %dma_start3A_72 = tpu.memref_slice %arg5[%add3A_66] : memref<81920xi32, #tpu.memory_space<hbm>> -> memref<256xi32, #tpu.memory_space<hbm>>
      tpu.enqueue_dma source(%dma_start3A_72 : memref<256xi32, #tpu.memory_space<hbm>>) target(%dma_start3A_71 : memref<256xi32, #tpu.memory_space<vmem>>) target_semaphore(%arg13 : memref<!tpu.dma_semaphore, #tpu.memory_space<semaphore_mem>>)
      %add3A_73 = arith.constant 20480 : i32
      %add3A_74 = arith.addi %add3A_73, %mul3A_0 : i32
      %dma_start3A_75 = arith.constant 1280 : i32
      %dma_start3A_76 = tpu.memref_slice %arg8[%dma_start3A_75] : memref<5120xi32, #tpu.memory_space<vmem>> -> memref<256xi32, #tpu.memory_space<vmem>>
      %dma_start3A_77 = tpu.memref_slice %arg5[%add3A_74] : memref<81920xi32, #tpu.memory_space<hbm>> -> memref<256xi32, #tpu.memory_space<hbm>>
      %dma_start3A_78 = arith.constant 1280 : i32
      %dma_start3A_79 = tpu.memref_slice %arg8[%dma_start3A_78] : memref<5120xi32, #tpu.memory_space<vmem>> -> memref<256xi32, #tpu.memory_space<vmem>>
      %dma_start3A_80 = tpu.memref_slice %arg5[%add3A_74] : memref<81920xi32, #tpu.memory_space<hbm>> -> memref<256xi32, #tpu.memory_space<hbm>>
      tpu.enqueue_dma source(%dma_start3A_80 : memref<256xi32, #tpu.memory_space<hbm>>) target(%dma_start3A_79 : memref<256xi32, #tpu.memory_space<vmem>>) target_semaphore(%arg13 : memref<!tpu.dma_semaphore, #tpu.memory_space<semaphore_mem>>)
      %add3A_81 = arith.constant 24576 : i32
      %add3A_82 = arith.addi %add3A_81, %mul3A_0 : i32
      %dma_start3A_83 = arith.constant 1536 : i32
      %dma_start3A_84 = tpu.memref_slice %arg8[%dma_start3A_83] : memref<5120xi32, #tpu.memory_space<vmem>> -> memref<256xi32, #tpu.memory_space<vmem>>
      %dma_start3A_85 = tpu.memref_slice %arg5[%add3A_82] : memref<81920xi32, #tpu.memory_space<hbm>> -> memref<256xi32, #tpu.memory_space<hbm>>
      %dma_start3A_86 = arith.constant 1536 : i32
      %dma_start3A_87 = tpu.memref_slice %arg8[%dma_start3A_86] : memref<5120xi32, #tpu.memory_space<vmem>> -> memref<256xi32, #tpu.memory_space<vmem>>
      %dma_start3A_88 = tpu.memref_slice %arg5[%add3A_82] : memref<81920xi32, #tpu.memory_space<hbm>> -> memref<256xi32, #tpu.memory_space<hbm>>
      tpu.enqueue_dma source(%dma_start3A_88 : memref<256xi32, #tpu.memory_space<hbm>>) target(%dma_start3A_87 : memref<256xi32, #tpu.memory_space<vmem>>) target_semaphore(%arg13 : memref<!tpu.dma_semaphore, #tpu.memory_space<semaphore_mem>>)
      %add3A_89 = arith.constant 28672 : i32
      %add3A_90 = arith.addi %add3A_89, %mul3A_0 : i32
      %dma_start3A_91 = arith.constant 1792 : i32
      %dma_start3A_92 = tpu.memref_slice %arg8[%dma_start3A_91] : memref<5120xi32, #tpu.memory_space<vmem>> -> memref<256xi32, #tpu.memory_space<vmem>>
      %dma_start3A_93 = tpu.memref_slice %arg5[%add3A_90] : memref<81920xi32, #tpu.memory_space<hbm>> -> memref<256xi32, #tpu.memory_space<hbm>>
      %dma_start3A_94 = arith.constant 1792 : i32
      %dma_start3A_95 = tpu.memref_slice %arg8[%dma_start3A_94] : memref<5120xi32, #tpu.memory_space<vmem>> -> memref<256xi32, #tpu.memory_space<vmem>>
      %dma_start3A_96 = tpu.memref_slice %arg5[%add3A_90] : memref<81920xi32, #tpu.memory_space<hbm>> -> memref<256xi32, #tpu.memory_space<hbm>>
      tpu.enqueue_dma source(%dma_start3A_96 : memref<256xi32, #tpu.memory_space<hbm>>) target(%dma_start3A_95 : memref<256xi32, #tpu.memory_space<vmem>>) target_semaphore(%arg13 : memref<!tpu.dma_semaphore, #tpu.memory_space<semaphore_mem>>)
      %add3A_97 = arith.constant 32768 : i32
      %add3A_98 = arith.addi %add3A_97, %mul3A_0 : i32
      %dma_start3A_99 = arith.constant 2048 : i32
      %dma_start3A_100 = tpu.memref_slice %arg8[%dma_start3A_99] : memref<5120xi32, #tpu.memory_space<vmem>> -> memref<256xi32, #tpu.memory_space<vmem>>
      %dma_start3A_101 = tpu.memref_slice %arg5[%add3A_98] : memref<81920xi32, #tpu.memory_space<hbm>> -> memref<256xi32, #tpu.memory_space<hbm>>
      %dma_start3A_102 = arith.constant 2048 : i32
      %dma_start3A_103 = tpu.memref_slice %arg8[%dma_start3A_102] : memref<5120xi32, #tpu.memory_space<vmem>> -> memref<256xi32, #tpu.memory_space<vmem>>
      %dma_start3A_104 = tpu.memref_slice %arg5[%add3A_98] : memref<81920xi32, #tpu.memory_space<hbm>> -> memref<256xi32, #tpu.memory_space<hbm>>
      tpu.enqueue_dma source(%dma_start3A_104 : memref<256xi32, #tpu.memory_space<hbm>>) target(%dma_start3A_103 : memref<256xi32, #tpu.memory_space<vmem>>) target_semaphore(%arg13 : memref<!tpu.dma_semaphore, #tpu.memory_space<semaphore_mem>>)
      %add3A_105 = arith.constant 36864 : i32
      %add3A_106 = arith.addi %add3A_105, %mul3A_0 : i32
      %dma_start3A_107 = arith.constant 2304 : i32
      %dma_start3A_108 = tpu.memref_slice %arg8[%dma_start3A_107] : memref<5120xi32, #tpu.memory_space<vmem>> -> memref<256xi32, #tpu.memory_space<vmem>>
      %dma_start3A_109 = tpu.memref_slice %arg5[%add3A_106] : memref<81920xi32, #tpu.memory_space<hbm>> -> memref<256xi32, #tpu.memory_space<hbm>>
      %dma_start3A_110 = arith.constant 2304 : i32
      %dma_start3A_111 = tpu.memref_slice %arg8[%dma_start3A_110] : memref<5120xi32, #tpu.memory_space<vmem>> -> memref<256xi32, #tpu.memory_space<vmem>>
      %dma_start3A_112 = tpu.memref_slice %arg5[%add3A_106] : memref<81920xi32, #tpu.memory_space<hbm>> -> memref<256xi32, #tpu.memory_space<hbm>>
      tpu.enqueue_dma source(%dma_start3A_112 : memref<256xi32, #tpu.memory_space<hbm>>) target(%dma_start3A_111 : memref<256xi32, #tpu.memory_space<vmem>>) target_semaphore(%arg13 : memref<!tpu.dma_semaphore, #tpu.memory_space<semaphore_mem>>)
      %add3A_113 = arith.constant 40960 : i32
      %add3A_114 = arith.addi %add3A_113, %mul3A_0 : i32
      %dma_start3A_115 = arith.constant 2560 : i32
      %dma_start3A_116 = tpu.memref_slice %arg8[%dma_start3A_115] : memref<5120xi32, #tpu.memory_space<vmem>> -> memref<256xi32, #tpu.memory_space<vmem>>
      %dma_start3A_117 = tpu.memref_slice %arg5[%add3A_114] : memref<81920xi32, #tpu.memory_space<hbm>> -> memref<256xi32, #tpu.memory_space<hbm>>
      %dma_start3A_118 = arith.constant 2560 : i32
      %dma_start3A_119 = tpu.memref_slice %arg8[%dma_start3A_118] : memref<5120xi32, #tpu.memory_space<vmem>> -> memref<256xi32, #tpu.memory_space<vmem>>
      %dma_start3A_120 = tpu.memref_slice %arg5[%add3A_114] : memref<81920xi32, #tpu.memory_space<hbm>> -> memref<256xi32, #tpu.memory_space<hbm>>
      tpu.enqueue_dma source(%dma_start3A_120 : memref<256xi32, #tpu.memory_space<hbm>>) target(%dma_start3A_119 : memref<256xi32, #tpu.memory_space<vmem>>) target_semaphore(%arg13 : memref<!tpu.dma_semaphore, #tpu.memory_space<semaphore_mem>>)
      %add3A_121 = arith.constant 45056 : i32
      %add3A_122 = arith.addi %add3A_121, %mul3A_0 : i32
      %dma_start3A_123 = arith.constant 2816 : i32
      %dma_start3A_124 = tpu.memref_slice %arg8[%dma_start3A_123] : memref<5120xi32, #tpu.memory_space<vmem>> -> memref<256xi32, #tpu.memory_space<vmem>>
      %dma_start3A_125 = tpu.memref_slice %arg5[%add3A_122] : memref<81920xi32, #tpu.memory_space<hbm>> -> memref<256xi32, #tpu.memory_space<hbm>>
      %dma_start3A_126 = arith.constant 2816 : i32
      %dma_start3A_127 = tpu.memref_slice %arg8[%dma_start3A_126] : memref<5120xi32, #tpu.memory_space<vmem>> -> memref<256xi32, #tpu.memory_space<vmem>>
      %dma_start3A_128 = tpu.memref_slice %arg5[%add3A_122] : memref<81920xi32, #tpu.memory_space<hbm>> -> memref<256xi32, #tpu.memory_space<hbm>>
      tpu.enqueue_dma source(%dma_start3A_128 : memref<256xi32, #tpu.memory_space<hbm>>) target(%dma_start3A_127 : memref<256xi32, #tpu.memory_space<vmem>>) target_semaphore(%arg13 : memref<!tpu.dma_semaphore, #tpu.memory_space<semaphore_mem>>)
      %add3A_129 = arith.constant 49152 : i32
      %add3A_130 = arith.addi %add3A_129, %mul3A_0 : i32
      %dma_start3A_131 = arith.constant 3072 : i32
      %dma_start3A_132 = tpu.memref_slice %arg8[%dma_start3A_131] : memref<5120xi32, #tpu.memory_space<vmem>> -> memref<256xi32, #tpu.memory_space<vmem>>
      %dma_start3A_133 = tpu.memref_slice %arg5[%add3A_130] : memref<81920xi32, #tpu.memory_space<hbm>> -> memref<256xi32, #tpu.memory_space<hbm>>
      %dma_start3A_134 = arith.constant 3072 : i32
      %dma_start3A_135 = tpu.memref_slice %arg8[%dma_start3A_134] : memref<5120xi32, #tpu.memory_space<vmem>> -> memref<256xi32, #tpu.memory_space<vmem>>
      %dma_start3A_136 = tpu.memref_slice %arg5[%add3A_130] : memref<81920xi32, #tpu.memory_space<hbm>> -> memref<256xi32, #tpu.memory_space<hbm>>
      tpu.enqueue_dma source(%dma_start3A_136 : memref<256xi32, #tpu.memory_space<hbm>>) target(%dma_start3A_135 : memref<256xi32, #tpu.memory_space<vmem>>) target_semaphore(%arg13 : memref<!tpu.dma_semaphore, #tpu.memory_space<semaphore_mem>>)
      %add3A_137 = arith.constant 53248 : i32
      %add3A_138 = arith.addi %add3A_137, %mul3A_0 : i32
      %dma_start3A_139 = arith.constant 3328 : i32
      %dma_start3A_140 = tpu.memref_slice %arg8[%dma_start3A_139] : memref<5120xi32, #tpu.memory_space<vmem>> -> memref<256xi32, #tpu.memory_space<vmem>>
      %dma_start3A_141 = tpu.memref_slice %arg5[%add3A_138] : memref<81920xi32, #tpu.memory_space<hbm>> -> memref<256xi32, #tpu.memory_space<hbm>>
      %dma_start3A_142 = arith.constant 3328 : i32
      %dma_start3A_143 = tpu.memref_slice %arg8[%dma_start3A_142] : memref<5120xi32, #tpu.memory_space<vmem>> -> memref<256xi32, #tpu.memory_space<vmem>>
      %dma_start3A_144 = tpu.memref_slice %arg5[%add3A_138] : memref<81920xi32, #tpu.memory_space<hbm>> -> memref<256xi32, #tpu.memory_space<hbm>>
      tpu.enqueue_dma source(%dma_start3A_144 : memref<256xi32, #tpu.memory_space<hbm>>) target(%dma_start3A_143 : memref<256xi32, #tpu.memory_space<vmem>>) target_semaphore(%arg13 : memref<!tpu.dma_semaphore, #tpu.memory_space<semaphore_mem>>)
      %add3A_145 = arith.constant 57344 : i32
      %add3A_146 = arith.addi %add3A_145, %mul3A_0 : i32
      %dma_start3A_147 = arith.constant 3584 : i32
      %dma_start3A_148 = tpu.memref_slice %arg8[%dma_start3A_147] : memref<5120xi32, #tpu.memory_space<vmem>> -> memref<256xi32, #tpu.memory_space<vmem>>
      %dma_start3A_149 = tpu.memref_slice %arg5[%add3A_146] : memref<81920xi32, #tpu.memory_space<hbm>> -> memref<256xi32, #tpu.memory_space<hbm>>
      %dma_start3A_150 = arith.constant 3584 : i32
      %dma_start3A_151 = tpu.memref_slice %arg8[%dma_start3A_150] : memref<5120xi32, #tpu.memory_space<vmem>> -> memref<256xi32, #tpu.memory_space<vmem>>
      %dma_start3A_152 = tpu.memref_slice %arg5[%add3A_146] : memref<81920xi32, #tpu.memory_space<hbm>> -> memref<256xi32, #tpu.memory_space<hbm>>
      tpu.enqueue_dma source(%dma_start3A_152 : memref<256xi32, #tpu.memory_space<hbm>>) target(%dma_start3A_151 : memref<256xi32, #tpu.memory_space<vmem>>) target_semaphore(%arg13 : memref<!tpu.dma_semaphore, #tpu.memory_space<semaphore_mem>>)
      %add3A_153 = arith.constant 61440 : i32
      %add3A_154 = arith.addi %add3A_153, %mul3A_0 : i32
      %dma_start3A_155 = arith.constant 3840 : i32
      %dma_start3A_156 = tpu.memref_slice %arg8[%dma_start3A_155] : memref<5120xi32, #tpu.memory_space<vmem>> -> memref<256xi32, #tpu.memory_space<vmem>>
      %dma_start3A_157 = tpu.memref_slice %arg5[%add3A_154] : memref<81920xi32, #tpu.memory_space<hbm>> -> memref<256xi32, #tpu.memory_space<hbm>>
      %dma_start3A_158 = arith.constant 3840 : i32
      %dma_start3A_159 = tpu.memref_slice %arg8[%dma_start3A_158] : memref<5120xi32, #tpu.memory_space<vmem>> -> memref<256xi32, #tpu.memory_space<vmem>>
      %dma_start3A_160 = tpu.memref_slice %arg5[%add3A_154] : memref<81920xi32, #tpu.memory_space<hbm>> -> memref<256xi32, #tpu.memory_space<hbm>>
      tpu.enqueue_dma source(%dma_start3A_160 : memref<256xi32, #tpu.memory_space<hbm>>) target(%dma_start3A_159 : memref<256xi32, #tpu.memory_space<vmem>>) target_semaphore(%arg13 : memref<!tpu.dma_semaphore, #tpu.memory_space<semaphore_mem>>)
      %add3A_161 = arith.constant 65536 : i32
      %add3A_162 = arith.addi %add3A_161, %mul3A_0 : i32
      %dma_start3A_163 = arith.constant 4096 : i32
      %dma_start3A_164 = tpu.memref_slice %arg8[%dma_start3A_163] : memref<5120xi32, #tpu.memory_space<vmem>> -> memref<256xi32, #tpu.memory_space<vmem>>
      %dma_start3A_165 = tpu.memref_slice %arg5[%add3A_162] : memref<81920xi32, #tpu.memory_space<hbm>> -> memref<256xi32, #tpu.memory_space<hbm>>
      %dma_start3A_166 = arith.constant 4096 : i32
      %dma_start3A_167 = tpu.memref_slice %arg8[%dma_start3A_166] : memref<5120xi32, #tpu.memory_space<vmem>> -> memref<256xi32, #tpu.memory_space<vmem>>
      %dma_start3A_168 = tpu.memref_slice %arg5[%add3A_162] : memref<81920xi32, #tpu.memory_space<hbm>> -> memref<256xi32, #tpu.memory_space<hbm>>
      tpu.enqueue_dma source(%dma_start3A_168 : memref<256xi32, #tpu.memory_space<hbm>>) target(%dma_start3A_167 : memref<256xi32, #tpu.memory_space<vmem>>) target_semaphore(%arg13 : memref<!tpu.dma_semaphore, #tpu.memory_space<semaphore_mem>>)
      %add3A_169 = arith.constant 69632 : i32
      %add3A_170 = arith.addi %add3A_169, %mul3A_0 : i32
      %dma_start3A_171 = arith.constant 4352 : i32
      %dma_start3A_172 = tpu.memref_slice %arg8[%dma_start3A_171] : memref<5120xi32, #tpu.memory_space<vmem>> -> memref<256xi32, #tpu.memory_space<vmem>>
      %dma_start3A_173 = tpu.memref_slice %arg5[%add3A_170] : memref<81920xi32, #tpu.memory_space<hbm>> -> memref<256xi32, #tpu.memory_space<hbm>>
      %dma_start3A_174 = arith.constant 4352 : i32
      %dma_start3A_175 = tpu.memref_slice %arg8[%dma_start3A_174] : memref<5120xi32, #tpu.memory_space<vmem>> -> memref<256xi32, #tpu.memory_space<vmem>>
      %dma_start3A_176 = tpu.memref_slice %arg5[%add3A_170] : memref<81920xi32, #tpu.memory_space<hbm>> -> memref<256xi32, #tpu.memory_space<hbm>>
      tpu.enqueue_dma source(%dma_start3A_176 : memref<256xi32, #tpu.memory_space<hbm>>) target(%dma_start3A_175 : memref<256xi32, #tpu.memory_space<vmem>>) target_semaphore(%arg13 : memref<!tpu.dma_semaphore, #tpu.memory_space<semaphore_mem>>)
      %add3A_177 = arith.constant 73728 : i32
      %add3A_178 = arith.addi %add3A_177, %mul3A_0 : i32
      %dma_start3A_179 = arith.constant 4608 : i32
      %dma_start3A_180 = tpu.memref_slice %arg8[%dma_start3A_179] : memref<5120xi32, #tpu.memory_space<vmem>> -> memref<256xi32, #tpu.memory_space<vmem>>
      %dma_start3A_181 = tpu.memref_slice %arg5[%add3A_178] : memref<81920xi32, #tpu.memory_space<hbm>> -> memref<256xi32, #tpu.memory_space<hbm>>
      %dma_start3A_182 = arith.constant 4608 : i32
      %dma_start3A_183 = tpu.memref_slice %arg8[%dma_start3A_182] : memref<5120xi32, #tpu.memory_space<vmem>> -> memref<256xi32, #tpu.memory_space<vmem>>
      %dma_start3A_184 = tpu.memref_slice %arg5[%add3A_178] : memref<81920xi32, #tpu.memory_space<hbm>> -> memref<256xi32, #tpu.memory_space<hbm>>
      tpu.enqueue_dma source(%dma_start3A_184 : memref<256xi32, #tpu.memory_space<hbm>>) target(%dma_start3A_183 : memref<256xi32, #tpu.memory_space<vmem>>) target_semaphore(%arg13 : memref<!tpu.dma_semaphore, #tpu.memory_space<semaphore_mem>>)
      %add3A_185 = arith.constant 77824 : i32
      %add3A_186 = arith.addi %add3A_185, %mul3A_0 : i32
      %dma_start3A_187 = arith.constant 4864 : i32
      %dma_start3A_188 = tpu.memref_slice %arg8[%dma_start3A_187] : memref<5120xi32, #tpu.memory_space<vmem>> -> memref<256xi32, #tpu.memory_space<vmem>>
      %dma_start3A_189 = tpu.memref_slice %arg5[%add3A_186] : memref<81920xi32, #tpu.memory_space<hbm>> -> memref<256xi32, #tpu.memory_space<hbm>>
      %dma_start3A_190 = arith.constant 4864 : i32
      %dma_start3A_191 = tpu.memref_slice %arg8[%dma_start3A_190] : memref<5120xi32, #tpu.memory_space<vmem>> -> memref<256xi32, #tpu.memory_space<vmem>>
      %dma_start3A_192 = tpu.memref_slice %arg5[%add3A_186] : memref<81920xi32, #tpu.memory_space<hbm>> -> memref<256xi32, #tpu.memory_space<hbm>>
      tpu.enqueue_dma source(%dma_start3A_192 : memref<256xi32, #tpu.memory_space<hbm>>) target(%dma_start3A_191 : memref<256xi32, #tpu.memory_space<vmem>>) target_semaphore(%arg13 : memref<!tpu.dma_semaphore, #tpu.memory_space<semaphore_mem>>)
      %dma_wait3A_193 = arith.constant 0 : i32
      %dma_wait3A_194 = tpu.memref_slice %arg8[%dma_wait3A_193] : memref<5120xi32, #tpu.memory_space<vmem>> -> memref<256xi32, #tpu.memory_space<vmem>>
      %dma_wait3A_195 = tpu.memref_slice %arg5[%add3A_34] : memref<81920xi32, #tpu.memory_space<hbm>> -> memref<256xi32, #tpu.memory_space<hbm>>
      %dma_wait3A_196 = arith.constant 0 : i32
      %dma_wait3A_197 = tpu.memref_slice %arg8[%dma_wait3A_196] : memref<5120xi32, #tpu.memory_space<vmem>> -> memref<256xi32, #tpu.memory_space<vmem>>
      %dma_wait3A_198 = tpu.memref_slice %arg5[%add3A_34] : memref<81920xi32, #tpu.memory_space<hbm>> -> memref<256xi32, #tpu.memory_space<hbm>>
      tpu.wait_dma2 semaphore(%arg13 : memref<!tpu.dma_semaphore, #tpu.memory_space<semaphore_mem>>) src(%dma_wait3A_198 : memref<256xi32, #tpu.memory_space<hbm>>) dst(%dma_wait3A_197 : memref<256xi32, #tpu.memory_space<vmem>>)
      %dma_wait3A_199 = arith.constant 256 : i32
      %dma_wait3A_200 = tpu.memref_slice %arg8[%dma_wait3A_199] : memref<5120xi32, #tpu.memory_space<vmem>> -> memref<256xi32, #tpu.memory_space<vmem>>
      %dma_wait3A_201 = tpu.memref_slice %arg5[%add3A_42] : memref<81920xi32, #tpu.memory_space<hbm>> -> memref<256xi32, #tpu.memory_space<hbm>>
      %dma_wait3A_202 = arith.constant 256 : i32
      %dma_wait3A_203 = tpu.memref_slice %arg8[%dma_wait3A_202] : memref<5120xi32, #tpu.memory_space<vmem>> -> memref<256xi32, #tpu.memory_space<vmem>>
      %dma_wait3A_204 = tpu.memref_slice %arg5[%add3A_42] : memref<81920xi32, #tpu.memory_space<hbm>> -> memref<256xi32, #tpu.memory_space<hbm>>
      tpu.wait_dma2 semaphore(%arg13 : memref<!tpu.dma_semaphore, #tpu.memory_space<semaphore_mem>>) src(%dma_wait3A_204 : memref<256xi32, #tpu.memory_space<hbm>>) dst(%dma_wait3A_203 : memref<256xi32, #tpu.memory_space<vmem>>)
      %dma_wait3A_205 = arith.constant 512 : i32
      %dma_wait3A_206 = tpu.memref_slice %arg8[%dma_wait3A_205] : memref<5120xi32, #tpu.memory_space<vmem>> -> memref<256xi32, #tpu.memory_space<vmem>>
      %dma_wait3A_207 = tpu.memref_slice %arg5[%add3A_50] : memref<81920xi32, #tpu.memory_space<hbm>> -> memref<256xi32, #tpu.memory_space<hbm>>
      %dma_wait3A_208 = arith.constant 512 : i32
      %dma_wait3A_209 = tpu.memref_slice %arg8[%dma_wait3A_208] : memref<5120xi32, #tpu.memory_space<vmem>> -> memref<256xi32, #tpu.memory_space<vmem>>
      %dma_wait3A_210 = tpu.memref_slice %arg5[%add3A_50] : memref<81920xi32, #tpu.memory_space<hbm>> -> memref<256xi32, #tpu.memory_space<hbm>>
      tpu.wait_dma2 semaphore(%arg13 : memref<!tpu.dma_semaphore, #tpu.memory_space<semaphore_mem>>) src(%dma_wait3A_210 : memref<256xi32, #tpu.memory_space<hbm>>) dst(%dma_wait3A_209 : memref<256xi32, #tpu.memory_space<vmem>>)
      %dma_wait3A_211 = arith.constant 768 : i32
      %dma_wait3A_212 = tpu.memref_slice %arg8[%dma_wait3A_211] : memref<5120xi32, #tpu.memory_space<vmem>> -> memref<256xi32, #tpu.memory_space<vmem>>
      %dma_wait3A_213 = tpu.memref_slice %arg5[%add3A_58] : memref<81920xi32, #tpu.memory_space<hbm>> -> memref<256xi32, #tpu.memory_space<hbm>>
      %dma_wait3A_214 = arith.constant 768 : i32
      %dma_wait3A_215 = tpu.memref_slice %arg8[%dma_wait3A_214] : memref<5120xi32, #tpu.memory_space<vmem>> -> memref<256xi32, #tpu.memory_space<vmem>>
      %dma_wait3A_216 = tpu.memref_slice %arg5[%add3A_58] : memref<81920xi32, #tpu.memory_space<hbm>> -> memref<256xi32, #tpu.memory_space<hbm>>
      tpu.wait_dma2 semaphore(%arg13 : memref<!tpu.dma_semaphore, #tpu.memory_space<semaphore_mem>>) src(%dma_wait3A_216 : memref<256xi32, #tpu.memory_space<hbm>>) dst(%dma_wait3A_215 : memref<256xi32, #tpu.memory_space<vmem>>)
      %dma_wait3A_217 = arith.constant 1024 : i32
      %dma_wait3A_218 = tpu.memref_slice %arg8[%dma_wait3A_217] : memref<5120xi32, #tpu.memory_space<vmem>> -> memref<256xi32, #tpu.memory_space<vmem>>
      %dma_wait3A_219 = tpu.memref_slice %arg5[%add3A_66] : memref<81920xi32, #tpu.memory_space<hbm>> -> memref<256xi32, #tpu.memory_space<hbm>>
      %dma_wait3A_220 = arith.constant 1024 : i32
      %dma_wait3A_221 = tpu.memref_slice %arg8[%dma_wait3A_220] : memref<5120xi32, #tpu.memory_space<vmem>> -> memref<256xi32, #tpu.memory_space<vmem>>
      %dma_wait3A_222 = tpu.memref_slice %arg5[%add3A_66] : memref<81920xi32, #tpu.memory_space<hbm>> -> memref<256xi32, #tpu.memory_space<hbm>>
      tpu.wait_dma2 semaphore(%arg13 : memref<!tpu.dma_semaphore, #tpu.memory_space<semaphore_mem>>) src(%dma_wait3A_222 : memref<256xi32, #tpu.memory_space<hbm>>) dst(%dma_wait3A_221 : memref<256xi32, #tpu.memory_space<vmem>>)
      %dma_wait3A_223 = arith.constant 1280 : i32
      %dma_wait3A_224 = tpu.memref_slice %arg8[%dma_wait3A_223] : memref<5120xi32, #tpu.memory_space<vmem>> -> memref<256xi32, #tpu.memory_space<vmem>>
      %dma_wait3A_225 = tpu.memref_slice %arg5[%add3A_74] : memref<81920xi32, #tpu.memory_space<hbm>> -> memref<256xi32, #tpu.memory_space<hbm>>
      %dma_wait3A_226 = arith.constant 1280 : i32
      %dma_wait3A_227 = tpu.memref_slice %arg8[%dma_wait3A_226] : memref<5120xi32, #tpu.memory_space<vmem>> -> memref<256xi32, #tpu.memory_space<vmem>>
      %dma_wait3A_228 = tpu.memref_slice %arg5[%add3A_74] : memref<81920xi32, #tpu.memory_space<hbm>> -> memref<256xi32, #tpu.memory_space<hbm>>
      tpu.wait_dma2 semaphore(%arg13 : memref<!tpu.dma_semaphore, #tpu.memory_space<semaphore_mem>>) src(%dma_wait3A_228 : memref<256xi32, #tpu.memory_space<hbm>>) dst(%dma_wait3A_227 : memref<256xi32, #tpu.memory_space<vmem>>)
      %dma_wait3A_229 = arith.constant 1536 : i32
      %dma_wait3A_230 = tpu.memref_slice %arg8[%dma_wait3A_229] : memref<5120xi32, #tpu.memory_space<vmem>> -> memref<256xi32, #tpu.memory_space<vmem>>
      %dma_wait3A_231 = tpu.memref_slice %arg5[%add3A_82] : memref<81920xi32, #tpu.memory_space<hbm>> -> memref<256xi32, #tpu.memory_space<hbm>>
      %dma_wait3A_232 = arith.constant 1536 : i32
      %dma_wait3A_233 = tpu.memref_slice %arg8[%dma_wait3A_232] : memref<5120xi32, #tpu.memory_space<vmem>> -> memref<256xi32, #tpu.memory_space<vmem>>
      %dma_wait3A_234 = tpu.memref_slice %arg5[%add3A_82] : memref<81920xi32, #tpu.memory_space<hbm>> -> memref<256xi32, #tpu.memory_space<hbm>>
      tpu.wait_dma2 semaphore(%arg13 : memref<!tpu.dma_semaphore, #tpu.memory_space<semaphore_mem>>) src(%dma_wait3A_234 : memref<256xi32, #tpu.memory_space<hbm>>) dst(%dma_wait3A_233 : memref<256xi32, #tpu.memory_space<vmem>>)
      %dma_wait3A_235 = arith.constant 1792 : i32
      %dma_wait3A_236 = tpu.memref_slice %arg8[%dma_wait3A_235] : memref<5120xi32, #tpu.memory_space<vmem>> -> memref<256xi32, #tpu.memory_space<vmem>>
      %dma_wait3A_237 = tpu.memref_slice %arg5[%add3A_90] : memref<81920xi32, #tpu.memory_space<hbm>> -> memref<256xi32, #tpu.memory_space<hbm>>
      %dma_wait3A_238 = arith.constant 1792 : i32
      %dma_wait3A_239 = tpu.memref_slice %arg8[%dma_wait3A_238] : memref<5120xi32, #tpu.memory_space<vmem>> -> memref<256xi32, #tpu.memory_space<vmem>>
      %dma_wait3A_240 = tpu.memref_slice %arg5[%add3A_90] : memref<81920xi32, #tpu.memory_space<hbm>> -> memref<256xi32, #tpu.memory_space<hbm>>
      tpu.wait_dma2 semaphore(%arg13 : memref<!tpu.dma_semaphore, #tpu.memory_space<semaphore_mem>>) src(%dma_wait3A_240 : memref<256xi32, #tpu.memory_space<hbm>>) dst(%dma_wait3A_239 : memref<256xi32, #tpu.memory_space<vmem>>)
      %dma_wait3A_241 = arith.constant 2048 : i32
      %dma_wait3A_242 = tpu.memref_slice %arg8[%dma_wait3A_241] : memref<5120xi32, #tpu.memory_space<vmem>> -> memref<256xi32, #tpu.memory_space<vmem>>
      %dma_wait3A_243 = tpu.memref_slice %arg5[%add3A_98] : memref<81920xi32, #tpu.memory_space<hbm>> -> memref<256xi32, #tpu.memory_space<hbm>>
      %dma_wait3A_244 = arith.constant 2048 : i32
      %dma_wait3A_245 = tpu.memref_slice %arg8[%dma_wait3A_244] : memref<5120xi32, #tpu.memory_space<vmem>> -> memref<256xi32, #tpu.memory_space<vmem>>
      %dma_wait3A_246 = tpu.memref_slice %arg5[%add3A_98] : memref<81920xi32, #tpu.memory_space<hbm>> -> memref<256xi32, #tpu.memory_space<hbm>>
      tpu.wait_dma2 semaphore(%arg13 : memref<!tpu.dma_semaphore, #tpu.memory_space<semaphore_mem>>) src(%dma_wait3A_246 : memref<256xi32, #tpu.memory_space<hbm>>) dst(%dma_wait3A_245 : memref<256xi32, #tpu.memory_space<vmem>>)
      %dma_wait3A_247 = arith.constant 2304 : i32
      %dma_wait3A_248 = tpu.memref_slice %arg8[%dma_wait3A_247] : memref<5120xi32, #tpu.memory_space<vmem>> -> memref<256xi32, #tpu.memory_space<vmem>>
      %dma_wait3A_249 = tpu.memref_slice %arg5[%add3A_106] : memref<81920xi32, #tpu.memory_space<hbm>> -> memref<256xi32, #tpu.memory_space<hbm>>
      %dma_wait3A_250 = arith.constant 2304 : i32
      %dma_wait3A_251 = tpu.memref_slice %arg8[%dma_wait3A_250] : memref<5120xi32, #tpu.memory_space<vmem>> -> memref<256xi32, #tpu.memory_space<vmem>>
      %dma_wait3A_252 = tpu.memref_slice %arg5[%add3A_106] : memref<81920xi32, #tpu.memory_space<hbm>> -> memref<256xi32, #tpu.memory_space<hbm>>
      tpu.wait_dma2 semaphore(%arg13 : memref<!tpu.dma_semaphore, #tpu.memory_space<semaphore_mem>>) src(%dma_wait3A_252 : memref<256xi32, #tpu.memory_space<hbm>>) dst(%dma_wait3A_251 : memref<256xi32, #tpu.memory_space<vmem>>)
      %dma_wait3A_253 = arith.constant 2560 : i32
      %dma_wait3A_254 = tpu.memref_slice %arg8[%dma_wait3A_253] : memref<5120xi32, #tpu.memory_space<vmem>> -> memref<256xi32, #tpu.memory_space<vmem>>
      %dma_wait3A_255 = tpu.memref_slice %arg5[%add3A_114] : memref<81920xi32, #tpu.memory_space<hbm>> -> memref<256xi32, #tpu.memory_space<hbm>>
      %dma_wait3A_256 = arith.constant 2560 : i32
      %dma_wait3A_257 = tpu.memref_slice %arg8[%dma_wait3A_256] : memref<5120xi32, #tpu.memory_space<vmem>> -> memref<256xi32, #tpu.memory_space<vmem>>
      %dma_wait3A_258 = tpu.memref_slice %arg5[%add3A_114] : memref<81920xi32, #tpu.memory_space<hbm>> -> memref<256xi32, #tpu.memory_space<hbm>>
      tpu.wait_dma2 semaphore(%arg13 : memref<!tpu.dma_semaphore, #tpu.memory_space<semaphore_mem>>) src(%dma_wait3A_258 : memref<256xi32, #tpu.memory_space<hbm>>) dst(%dma_wait3A_257 : memref<256xi32, #tpu.memory_space<vmem>>)
      %dma_wait3A_259 = arith.constant 2816 : i32
      %dma_wait3A_260 = tpu.memref_slice %arg8[%dma_wait3A_259] : memref<5120xi32, #tpu.memory_space<vmem>> -> memref<256xi32, #tpu.memory_space<vmem>>
      %dma_wait3A_261 = tpu.memref_slice %arg5[%add3A_122] : memref<81920xi32, #tpu.memory_space<hbm>> -> memref<256xi32, #tpu.memory_space<hbm>>
      %dma_wait3A_262 = arith.constant 2816 : i32
      %dma_wait3A_263 = tpu.memref_slice %arg8[%dma_wait3A_262] : memref<5120xi32, #tpu.memory_space<vmem>> -> memref<256xi32, #tpu.memory_space<vmem>>
      %dma_wait3A_264 = tpu.memref_slice %arg5[%add3A_122] : memref<81920xi32, #tpu.memory_space<hbm>> -> memref<256xi32, #tpu.memory_space<hbm>>
      tpu.wait_dma2 semaphore(%arg13 : memref<!tpu.dma_semaphore, #tpu.memory_space<semaphore_mem>>) src(%dma_wait3A_264 : memref<256xi32, #tpu.memory_space<hbm>>) dst(%dma_wait3A_263 : memref<256xi32, #tpu.memory_space<vmem>>)
      %dma_wait3A_265 = arith.constant 3072 : i32
      %dma_wait3A_266 = tpu.memref_slice %arg8[%dma_wait3A_265] : memref<5120xi32, #tpu.memory_space<vmem>> -> memref<256xi32, #tpu.memory_space<vmem>>
      %dma_wait3A_267 = tpu.memref_slice %arg5[%add3A_130] : memref<81920xi32, #tpu.memory_space<hbm>> -> memref<256xi32, #tpu.memory_space<hbm>>
      %dma_wait3A_268 = arith.constant 3072 : i32
      %dma_wait3A_269 = tpu.memref_slice %arg8[%dma_wait3A_268] : memref<5120xi32, #tpu.memory_space<vmem>> -> memref<256xi32, #tpu.memory_space<vmem>>
      %dma_wait3A_270 = tpu.memref_slice %arg5[%add3A_130] : memref<81920xi32, #tpu.memory_space<hbm>> -> memref<256xi32, #tpu.memory_space<hbm>>
      tpu.wait_dma2 semaphore(%arg13 : memref<!tpu.dma_semaphore, #tpu.memory_space<semaphore_mem>>) src(%dma_wait3A_270 : memref<256xi32, #tpu.memory_space<hbm>>) dst(%dma_wait3A_269 : memref<256xi32, #tpu.memory_space<vmem>>)
      %dma_wait3A_271 = arith.constant 3328 : i32
      %dma_wait3A_272 = tpu.memref_slice %arg8[%dma_wait3A_271] : memref<5120xi32, #tpu.memory_space<vmem>> -> memref<256xi32, #tpu.memory_space<vmem>>
      %dma_wait3A_273 = tpu.memref_slice %arg5[%add3A_138] : memref<81920xi32, #tpu.memory_space<hbm>> -> memref<256xi32, #tpu.memory_space<hbm>>
      %dma_wait3A_274 = arith.constant 3328 : i32
      %dma_wait3A_275 = tpu.memref_slice %arg8[%dma_wait3A_274] : memref<5120xi32, #tpu.memory_space<vmem>> -> memref<256xi32, #tpu.memory_space<vmem>>
      %dma_wait3A_276 = tpu.memref_slice %arg5[%add3A_138] : memref<81920xi32, #tpu.memory_space<hbm>> -> memref<256xi32, #tpu.memory_space<hbm>>
      tpu.wait_dma2 semaphore(%arg13 : memref<!tpu.dma_semaphore, #tpu.memory_space<semaphore_mem>>) src(%dma_wait3A_276 : memref<256xi32, #tpu.memory_space<hbm>>) dst(%dma_wait3A_275 : memref<256xi32, #tpu.memory_space<vmem>>)
      %dma_wait3A_277 = arith.constant 3584 : i32
      %dma_wait3A_278 = tpu.memref_slice %arg8[%dma_wait3A_277] : memref<5120xi32, #tpu.memory_space<vmem>> -> memref<256xi32, #tpu.memory_space<vmem>>
      %dma_wait3A_279 = tpu.memref_slice %arg5[%add3A_146] : memref<81920xi32, #tpu.memory_space<hbm>> -> memref<256xi32, #tpu.memory_space<hbm>>
      %dma_wait3A_280 = arith.constant 3584 : i32
      %dma_wait3A_281 = tpu.memref_slice %arg8[%dma_wait3A_280] : memref<5120xi32, #tpu.memory_space<vmem>> -> memref<256xi32, #tpu.memory_space<vmem>>
      %dma_wait3A_282 = tpu.memref_slice %arg5[%add3A_146] : memref<81920xi32, #tpu.memory_space<hbm>> -> memref<256xi32, #tpu.memory_space<hbm>>
      tpu.wait_dma2 semaphore(%arg13 : memref<!tpu.dma_semaphore, #tpu.memory_space<semaphore_mem>>) src(%dma_wait3A_282 : memref<256xi32, #tpu.memory_space<hbm>>) dst(%dma_wait3A_281 : memref<256xi32, #tpu.memory_space<vmem>>)
      %dma_wait3A_283 = arith.constant 3840 : i32
      %dma_wait3A_284 = tpu.memref_slice %arg8[%dma_wait3A_283] : memref<5120xi32, #tpu.memory_space<vmem>> -> memref<256xi32, #tpu.memory_space<vmem>>
      %dma_wait3A_285 = tpu.memref_slice %arg5[%add3A_154] : memref<81920xi32, #tpu.memory_space<hbm>> -> memref<256xi32, #tpu.memory_space<hbm>>
      %dma_wait3A_286 = arith.constant 3840 : i32
      %dma_wait3A_287 = tpu.memref_slice %arg8[%dma_wait3A_286] : memref<5120xi32, #tpu.memory_space<vmem>> -> memref<256xi32, #tpu.memory_space<vmem>>
      %dma_wait3A_288 = tpu.memref_slice %arg5[%add3A_154] : memref<81920xi32, #tpu.memory_space<hbm>> -> memref<256xi32, #tpu.memory_space<hbm>>
      tpu.wait_dma2 semaphore(%arg13 : memref<!tpu.dma_semaphore, #tpu.memory_space<semaphore_mem>>) src(%dma_wait3A_288 : memref<256xi32, #tpu.memory_space<hbm>>) dst(%dma_wait3A_287 : memref<256xi32, #tpu.memory_space<vmem>>)
      %dma_wait3A_289 = arith.constant 4096 : i32
      %dma_wait3A_290 = tpu.memref_slice %arg8[%dma_wait3A_289] : memref<5120xi32, #tpu.memory_space<vmem>> -> memref<256xi32, #tpu.memory_space<vmem>>
      %dma_wait3A_291 = tpu.memref_slice %arg5[%add3A_162] : memref<81920xi32, #tpu.memory_space<hbm>> -> memref<256xi32, #tpu.memory_space<hbm>>
      %dma_wait3A_292 = arith.constant 4096 : i32
      %dma_wait3A_293 = tpu.memref_slice %arg8[%dma_wait3A_292] : memref<5120xi32, #tpu.memory_space<vmem>> -> memref<256xi32, #tpu.memory_space<vmem>>
      %dma_wait3A_294 = tpu.memref_slice %arg5[%add3A_162] : memref<81920xi32, #tpu.memory_space<hbm>> -> memref<256xi32, #tpu.memory_space<hbm>>
      tpu.wait_dma2 semaphore(%arg13 : memref<!tpu.dma_semaphore, #tpu.memory_space<semaphore_mem>>) src(%dma_wait3A_294 : memref<256xi32, #tpu.memory_space<hbm>>) dst(%dma_wait3A_293 : memref<256xi32, #tpu.memory_space<vmem>>)
      %dma_wait3A_295 = arith.constant 4352 : i32
      %dma_wait3A_296 = tpu.memref_slice %arg8[%dma_wait3A_295] : memref<5120xi32, #tpu.memory_space<vmem>> -> memref<256xi32, #tpu.memory_space<vmem>>
      %dma_wait3A_297 = tpu.memref_slice %arg5[%add3A_170] : memref<81920xi32, #tpu.memory_space<hbm>> -> memref<256xi32, #tpu.memory_space<hbm>>
      %dma_wait3A_298 = arith.constant 4352 : i32
      %dma_wait3A_299 = tpu.memref_slice %arg8[%dma_wait3A_298] : memref<5120xi32, #tpu.memory_space<vmem>> -> memref<256xi32, #tpu.memory_space<vmem>>
      %dma_wait3A_300 = tpu.memref_slice %arg5[%add3A_170] : memref<81920xi32, #tpu.memory_space<hbm>> -> memref<256xi32, #tpu.memory_space<hbm>>
      tpu.wait_dma2 semaphore(%arg13 : memref<!tpu.dma_semaphore, #tpu.memory_space<semaphore_mem>>) src(%dma_wait3A_300 : memref<256xi32, #tpu.memory_space<hbm>>) dst(%dma_wait3A_299 : memref<256xi32, #tpu.memory_space<vmem>>)
      %dma_wait3A_301 = arith.constant 4608 : i32
      %dma_wait3A_302 = tpu.memref_slice %arg8[%dma_wait3A_301] : memref<5120xi32, #tpu.memory_space<vmem>> -> memref<256xi32, #tpu.memory_space<vmem>>
      %dma_wait3A_303 = tpu.memref_slice %arg5[%add3A_178] : memref<81920xi32, #tpu.memory_space<hbm>> -> memref<256xi32, #tpu.memory_space<hbm>>
      %dma_wait3A_304 = arith.constant 4608 : i32
      %dma_wait3A_305 = tpu.memref_slice %arg8[%dma_wait3A_304] : memref<5120xi32, #tpu.memory_space<vmem>> -> memref<256xi32, #tpu.memory_space<vmem>>
      %dma_wait3A_306 = tpu.memref_slice %arg5[%add3A_178] : memref<81920xi32, #tpu.memory_space<hbm>> -> memref<256xi32, #tpu.memory_space<hbm>>
      tpu.wait_dma2 semaphore(%arg13 : memref<!tpu.dma_semaphore, #tpu.memory_space<semaphore_mem>>) src(%dma_wait3A_306 : memref<256xi32, #tpu.memory_space<hbm>>) dst(%dma_wait3A_305 : memref<256xi32, #tpu.memory_space<vmem>>)
      %dma_wait3A_307 = arith.constant 4864 : i32
      %dma_wait3A_308 = tpu.memref_slice %arg8[%dma_wait3A_307] : memref<5120xi32, #tpu.memory_space<vmem>> -> memref<256xi32, #tpu.memory_space<vmem>>
      %dma_wait3A_309 = tpu.memref_slice %arg5[%add3A_186] : memref<81920xi32, #tpu.memory_space<hbm>> -> memref<256xi32, #tpu.memory_space<hbm>>
      %dma_wait3A_310 = arith.constant 4864 : i32
      %dma_wait3A_311 = tpu.memref_slice %arg8[%dma_wait3A_310] : memref<5120xi32, #tpu.memory_space<vmem>> -> memref<256xi32, #tpu.memory_space<vmem>>
      %dma_wait3A_312 = tpu.memref_slice %arg5[%add3A_186] : memref<81920xi32, #tpu.memory_space<hbm>> -> memref<256xi32, #tpu.memory_space<hbm>>
      tpu.wait_dma2 semaphore(%arg13 : memref<!tpu.dma_semaphore, #tpu.memory_space<semaphore_mem>>) src(%dma_wait3A_312 : memref<256xi32, #tpu.memory_space<hbm>>) dst(%dma_wait3A_311 : memref<256xi32, #tpu.memory_space<vmem>>)
    } else {
    }
    %barrier3A = arith.constant 0 : index
    tpu.barrier barrier_id(%barrier3A)
    %dma_start3A = arith.constant 0 : i32
    %dma_start3A_23 = tpu.memref_slice %arg12[%dma_start3A] : memref<100000xf32, #tpu.memory_space<vmem_shared>> -> memref<100000xf32, #tpu.memory_space<vmem_shared>>
    tpu.enqueue_indirect_dma source(%dma_start3A_23 : memref<100000xf32, #tpu.memory_space<vmem_shared>>) target(%arg9 : memref<5120xf32, #tpu.memory_space<vmem>>) offsets(%arg8 : memref<5120xi32, #tpu.memory_space<vmem>>) semaphore(%arg13 : memref<!tpu.dma_semaphore, #tpu.memory_space<semaphore_mem>>)
    %dma_wait3A = arith.constant 0 : i32
    %dma_wait3A_24 = tpu.memref_slice %arg12[%dma_wait3A] : memref<100000xf32, #tpu.memory_space<vmem_shared>> -> memref<100000xf32, #tpu.memory_space<vmem_shared>>
    tpu.wait_indirect_dma semaphore(%arg13 : memref<!tpu.dma_semaphore, #tpu.memory_space<semaphore_mem>>) src(%dma_wait3A_24 : memref<100000xf32, #tpu.memory_space<vmem_shared>>) dst(%arg9 : memref<5120xf32, #tpu.memory_space<vmem>>)
    "tpu.region"() ({
      %run_scoped3A = tpu.sem_alloc : memref<!tpu.dma_semaphore, #tpu.memory_space<semaphore_mem>>
      tpu.enqueue_dma source(%arg6 : memref<16xf32, #tpu.memory_space<hbm>>) target(%arg11 : memref<16xf32, #tpu.memory_space<vmem>>) target_semaphore(%run_scoped3A : memref<!tpu.dma_semaphore, #tpu.memory_space<semaphore_mem>>)
      tpu.wait_dma2 semaphore(%run_scoped3A : memref<!tpu.dma_semaphore, #tpu.memory_space<semaphore_mem>>) src(%arg6 : memref<16xf32, #tpu.memory_space<hbm>>) dst(%arg11 : memref<16xf32, #tpu.memory_space<vmem>>)
      tpu.yield
    }) : () -> ()
    %get3A = arith.constant 0 : index
    %get3A_25 = tpu.vector_load %arg11[%get3A] {strides = array<i32>} : memref<16xf32, #tpu.memory_space<vmem>>, vector<16xf32>,
    %scan3A = arith.constant 0 : i32
    %scan3A_26 = arith.constant 0 : i32
    %scan3A_27 = arith.constant 16 : i32
    %scan3A_28 = arith.addi %scan3A_26, %scan3A_27 : i32
    %scan3A_29 = arith.constant 1 : i32
    scf.for %scan3A_33 = %scan3A_26 to %scan3A_28 step %scan3A_29  : i32 {
      %mul3A_34 = arith.constant 16 : i32
      %mul3A_35 = arith.muli %scan3A_33, %mul3A_34 : i32
      %add3A_36 = arith.constant 0 : i32
      %add3A_37 = arith.addi %add3A_36, %mul3A_35 : i32
      %get3A_38 = arith.index_cast %add3A_37 : i32 to index
      %get3A_39 = tpu.vector_load %arg9[%get3A_38] {strides = array<i32>} : memref<5120xf32, #tpu.memory_space<vmem>>, vector<16xf32>,
      %add3A_40 = arith.addf %get3A_25, %get3A_39 : vector<16xf32>
      %add3A_41 = arith.constant 256 : i32
      %add3A_42 = arith.addi %add3A_41, %mul3A_35 : i32
      %get3A_43 = arith.index_cast %add3A_42 : i32 to index
      %get3A_44 = tpu.vector_load %arg9[%get3A_43] {strides = array<i32>} : memref<5120xf32, #tpu.memory_space<vmem>>, vector<16xf32>,
      %add3A_45 = arith.addf %add3A_40, %get3A_44 : vector<16xf32>
      %add3A_46 = arith.constant 512 : i32
      %add3A_47 = arith.addi %add3A_46, %mul3A_35 : i32
      %get3A_48 = arith.index_cast %add3A_47 : i32 to index
      %get3A_49 = tpu.vector_load %arg9[%get3A_48] {strides = array<i32>} : memref<5120xf32, #tpu.memory_space<vmem>>, vector<16xf32>,
      %add3A_50 = arith.addf %add3A_45, %get3A_49 : vector<16xf32>
      %add3A_51 = arith.constant 768 : i32
      %add3A_52 = arith.addi %add3A_51, %mul3A_35 : i32
      %get3A_53 = arith.index_cast %add3A_52 : i32 to index
      %get3A_54 = tpu.vector_load %arg9[%get3A_53] {strides = array<i32>} : memref<5120xf32, #tpu.memory_space<vmem>>, vector<16xf32>,
      %add3A_55 = arith.addf %add3A_50, %get3A_54 : vector<16xf32>
      %add3A_56 = arith.constant 1024 : i32
      %add3A_57 = arith.addi %add3A_56, %mul3A_35 : i32
      %get3A_58 = arith.index_cast %add3A_57 : i32 to index
      %get3A_59 = tpu.vector_load %arg9[%get3A_58] {strides = array<i32>} : memref<5120xf32, #tpu.memory_space<vmem>>, vector<16xf32>,
      %add3A_60 = arith.addf %add3A_55, %get3A_59 : vector<16xf32>
      %add3A_61 = arith.constant 1280 : i32
      %add3A_62 = arith.addi %add3A_61, %mul3A_35 : i32
      %get3A_63 = arith.index_cast %add3A_62 : i32 to index
      %get3A_64 = tpu.vector_load %arg9[%get3A_63] {strides = array<i32>} : memref<5120xf32, #tpu.memory_space<vmem>>, vector<16xf32>,
      %add3A_65 = arith.addf %add3A_60, %get3A_64 : vector<16xf32>
      %add3A_66 = arith.constant 1536 : i32
      %add3A_67 = arith.addi %add3A_66, %mul3A_35 : i32
      %get3A_68 = arith.index_cast %add3A_67 : i32 to index
      %get3A_69 = tpu.vector_load %arg9[%get3A_68] {strides = array<i32>} : memref<5120xf32, #tpu.memory_space<vmem>>, vector<16xf32>,
      %add3A_70 = arith.addf %add3A_65, %get3A_69 : vector<16xf32>
      %add3A_71 = arith.constant 1792 : i32
      %add3A_72 = arith.addi %add3A_71, %mul3A_35 : i32
      %get3A_73 = arith.index_cast %add3A_72 : i32 to index
      %get3A_74 = tpu.vector_load %arg9[%get3A_73] {strides = array<i32>} : memref<5120xf32, #tpu.memory_space<vmem>>, vector<16xf32>,
      %add3A_75 = arith.addf %add3A_70, %get3A_74 : vector<16xf32>
      %add3A_76 = arith.constant 2048 : i32
      %add3A_77 = arith.addi %add3A_76, %mul3A_35 : i32
      %get3A_78 = arith.index_cast %add3A_77 : i32 to index
      %get3A_79 = tpu.vector_load %arg9[%get3A_78] {strides = array<i32>} : memref<5120xf32, #tpu.memory_space<vmem>>, vector<16xf32>,
      %add3A_80 = arith.addf %add3A_75, %get3A_79 : vector<16xf32>
      %add3A_81 = arith.constant 2304 : i32
      %add3A_82 = arith.addi %add3A_81, %mul3A_35 : i32
      %get3A_83 = arith.index_cast %add3A_82 : i32 to index
      %get3A_84 = tpu.vector_load %arg9[%get3A_83] {strides = array<i32>} : memref<5120xf32, #tpu.memory_space<vmem>>, vector<16xf32>,
      %add3A_85 = arith.addf %add3A_80, %get3A_84 : vector<16xf32>
      %add3A_86 = arith.constant 2560 : i32
      %add3A_87 = arith.addi %add3A_86, %mul3A_35 : i32
      %get3A_88 = arith.index_cast %add3A_87 : i32 to index
      %get3A_89 = tpu.vector_load %arg9[%get3A_88] {strides = array<i32>} : memref<5120xf32, #tpu.memory_space<vmem>>, vector<16xf32>,
      %add3A_90 = arith.addf %add3A_85, %get3A_89 : vector<16xf32>
      %add3A_91 = arith.constant 2816 : i32
      %add3A_92 = arith.addi %add3A_91, %mul3A_35 : i32
      %get3A_93 = arith.index_cast %add3A_92 : i32 to index
      %get3A_94 = tpu.vector_load %arg9[%get3A_93] {strides = array<i32>} : memref<5120xf32, #tpu.memory_space<vmem>>, vector<16xf32>,
      %add3A_95 = arith.addf %add3A_90, %get3A_94 : vector<16xf32>
      %add3A_96 = arith.constant 3072 : i32
      %add3A_97 = arith.addi %add3A_96, %mul3A_35 : i32
      %get3A_98 = arith.index_cast %add3A_97 : i32 to index
      %get3A_99 = tpu.vector_load %arg9[%get3A_98] {strides = array<i32>} : memref<5120xf32, #tpu.memory_space<vmem>>, vector<16xf32>,
      %add3A_100 = arith.addf %add3A_95, %get3A_99 : vector<16xf32>
      %add3A_101 = arith.constant 3328 : i32
      %add3A_102 = arith.addi %add3A_101, %mul3A_35 : i32
      %get3A_103 = arith.index_cast %add3A_102 : i32 to index
      %get3A_104 = tpu.vector_load %arg9[%get3A_103] {strides = array<i32>} : memref<5120xf32, #tpu.memory_space<vmem>>, vector<16xf32>,
      %add3A_105 = arith.addf %add3A_100, %get3A_104 : vector<16xf32>
      %add3A_106 = arith.constant 3584 : i32
      %add3A_107 = arith.addi %add3A_106, %mul3A_35 : i32
      %get3A_108 = arith.index_cast %add3A_107 : i32 to index
      %get3A_109 = tpu.vector_load %arg9[%get3A_108] {strides = array<i32>} : memref<5120xf32, #tpu.memory_space<vmem>>, vector<16xf32>,
      %add3A_110 = arith.addf %add3A_105, %get3A_109 : vector<16xf32>
      %add3A_111 = arith.constant 3840 : i32
      %add3A_112 = arith.addi %add3A_111, %mul3A_35 : i32
      %get3A_113 = arith.index_cast %add3A_112 : i32 to index
      %get3A_114 = tpu.vector_load %arg9[%get3A_113] {strides = array<i32>} : memref<5120xf32, #tpu.memory_space<vmem>>, vector<16xf32>,
      %add3A_115 = arith.addf %add3A_110, %get3A_114 : vector<16xf32>
      %add3A_116 = arith.constant 4096 : i32
      %add3A_117 = arith.addi %add3A_116, %mul3A_35 : i32
      %get3A_118 = arith.index_cast %add3A_117 : i32 to index
      %get3A_119 = tpu.vector_load %arg9[%get3A_118] {strides = array<i32>} : memref<5120xf32, #tpu.memory_space<vmem>>, vector<16xf32>,
      %add3A_120 = arith.addf %add3A_115, %get3A_119 : vector<16xf32>
      %add3A_121 = arith.constant 4352 : i32
      %add3A_122 = arith.addi %add3A_121, %mul3A_35 : i32
      %get3A_123 = arith.index_cast %add3A_122 : i32 to index
      %get3A_124 = tpu.vector_load %arg9[%get3A_123] {strides = array<i32>} : memref<5120xf32, #tpu.memory_space<vmem>>, vector<16xf32>,
      %add3A_125 = arith.addf %add3A_120, %get3A_124 : vector<16xf32>
      %add3A_126 = arith.constant 4608 : i32
      %add3A_127 = arith.addi %add3A_126, %mul3A_35 : i32
      %get3A_128 = arith.index_cast %add3A_127 : i32 to index
      %get3A_129 = tpu.vector_load %arg9[%get3A_128] {strides = array<i32>} : memref<5120xf32, #tpu.memory_space<vmem>>, vector<16xf32>,
      %add3A_130 = arith.addf %add3A_125, %get3A_129 : vector<16xf32>
      %add3A_131 = arith.constant 4864 : i32
      %add3A_132 = arith.addi %add3A_131, %mul3A_35 : i32
      %get3A_133 = arith.index_cast %add3A_132 : i32 to index
      %get3A_134 = tpu.vector_load %arg9[%get3A_133] {strides = array<i32>} : memref<5120xf32, #tpu.memory_space<vmem>>, vector<16xf32>,
      %add3A_135 = arith.addf %add3A_130, %get3A_134 : vector<16xf32>
      %swap3A = arith.index_cast %mul3A_35 : i32 to index
      %swap3A_136 = tpu.vector_load %arg10[%swap3A] {strides = array<i32>} : memref<256xf32, #tpu.memory_space<vmem>>, vector<16xf32>,
      tpu.vector_store %arg10[%swap3A], %add3A_135 {strides = array<i32>} : memref<256xf32, #tpu.memory_space<vmem>>, vector<16xf32>,
    }
    %scan3A_30 = arith.constant 16 : i32
    %mul3A_31 = arith.constant 4096 : i32
    %mul3A_32 = arith.muli %arg0, %mul3A_31 : i32
    %add3A = arith.addi %mul3A_32, %mul3A_0 : i32
    "tpu.region"() ({
      %run_scoped3A = tpu.sem_alloc : memref<!tpu.dma_semaphore, #tpu.memory_space<semaphore_mem>>
      %dma_start3A_33 = tpu.memref_slice %arg7[%add3A] : memref<8192xf32, #tpu.memory_space<hbm>> -> memref<256xf32, #tpu.memory_space<hbm>>
      %dma_start3A_34 = tpu.memref_slice %arg7[%add3A] : memref<8192xf32, #tpu.memory_space<hbm>> -> memref<256xf32, #tpu.memory_space<hbm>>
      tpu.enqueue_dma source(%arg10 : memref<256xf32, #tpu.memory_space<vmem>>) target(%dma_start3A_34 : memref<256xf32, #tpu.memory_space<hbm>>) target_semaphore(%run_scoped3A : memref<!tpu.dma_semaphore, #tpu.memory_space<semaphore_mem>>)
      %dma_wait3A_35 = tpu.memref_slice %arg7[%add3A] : memref<8192xf32, #tpu.memory_space<hbm>> -> memref<256xf32, #tpu.memory_space<hbm>>
      %dma_wait3A_36 = tpu.memref_slice %arg7[%add3A] : memref<8192xf32, #tpu.memory_space<hbm>> -> memref<256xf32, #tpu.memory_space<hbm>>
      tpu.wait_dma2 semaphore(%run_scoped3A : memref<!tpu.dma_semaphore, #tpu.memory_space<semaphore_mem>>) src(%arg10 : memref<256xf32, #tpu.memory_space<vmem>>) dst(%dma_wait3A_36 : memref<256xf32, #tpu.memory_space<hbm>>)
      tpu.yield
    }) : () -> ()
    return
  }
}

module attributes {stable_mosaic.version = 14 : i64} {
  func.func @_project_body(%arg0: memref<4x100000xf32, #tpu.memory_space<vmem>>, %arg1: memref<4x100000xf32, #tpu.memory_space<vmem>>, %arg2: memref<4xf32, #tpu.memory_space<vmem>>, %arg3: memref<1xf32, #tpu.memory_space<vmem>>, %arg4: memref<20x4096xi32, #tpu.memory_space<vmem>>, %arg5: memref<20x4096xi32, #tpu.memory_space<vmem>>, %arg6: memref<100000xf32, #tpu.memory_space<vmem>>, %arg7: memref<100000xf32, #tpu.memory_space<vmem>>, %arg8: memref<16xf32, #tpu.memory_space<vmem>>, %arg9: memref<81920xi32, #tpu.memory_space<vmem>>, %arg10: memref<81920xi32, #tpu.memory_space<vmem>>) attributes {dimension_semantics = [], scalar_prefetch = 0 : i64, scratch_operands = 0 : i64, tpu.core_type = #tpu.core_type<tc>} {
    %get3A = arith.constant 0 : index
    %get3A_0 = vector.load %arg2[%get3A] : memref<4xf32, #tpu.memory_space<vmem>>, vector<4xf32>
    %reshape3A = vector.shape_cast %get3A_0 : vector<4xf32> to vector<1x4xf32>
    %get3A_1 = arith.constant 0 : index
    %get3A_2 = arith.constant 0 : index
    %get3A_3 = vector.load %arg0[%get3A_1, %get3A_2] : memref<4x100000xf32, #tpu.memory_space<vmem>>, vector<4x100000xf32>
    %dot_general3A = arith.constant dense<0.000000e+00> : vector<1x100000xf32>
    %dot_general3A_4 = tpu.matmul %reshape3A, %get3A_3, %dot_general3A {dimension_numbers = #tpu.dot_dimension_numbers<[1], [0], [0], [1], [0, 0, 1, 1], [], []>, transpose_lhs_hint = false} : vector<1x4xf32>, vector<4x100000xf32>, vector<1x100000xf32> -> vector<1x100000xf32>
    %squeeze3A = vector.shape_cast %dot_general3A_4 : vector<1x100000xf32> to vector<100000xf32>
    %swap3A = arith.constant 0 : index
    %swap3A_5 = vector.load %arg6[%swap3A] : memref<100000xf32, #tpu.memory_space<vmem>>, vector<100000xf32>
    tpu.vector_store %arg6[%swap3A], %squeeze3A {strides = array<i32>} : memref<100000xf32, #tpu.memory_space<vmem>>, vector<100000xf32>,
    %get3A_6 = arith.constant 0 : index
    %get3A_7 = arith.constant 0 : index
    %get3A_8 = vector.load %arg1[%get3A_6, %get3A_7] : memref<4x100000xf32, #tpu.memory_space<vmem>>, vector<4x100000xf32>
    %dot_general3A_9 = arith.constant dense<0.000000e+00> : vector<1x100000xf32>
    %dot_general3A_10 = tpu.matmul %reshape3A, %get3A_8, %dot_general3A_9 {dimension_numbers = #tpu.dot_dimension_numbers<[1], [0], [0], [1], [0, 0, 1, 1], [], []>, transpose_lhs_hint = false} : vector<1x4xf32>, vector<4x100000xf32>, vector<1x100000xf32> -> vector<1x100000xf32>
    %squeeze3A_11 = vector.shape_cast %dot_general3A_10 : vector<1x100000xf32> to vector<100000xf32>
    %swap3A_12 = arith.constant 0 : index
    %swap3A_13 = vector.load %arg7[%swap3A_12] : memref<100000xf32, #tpu.memory_space<vmem>>, vector<100000xf32>
    tpu.vector_store %arg7[%swap3A_12], %squeeze3A_11 {strides = array<i32>} : memref<100000xf32, #tpu.memory_space<vmem>>, vector<100000xf32>,
    %get3A_14 = arith.constant 0 : index
    %get3A_15 = vector.load %arg3[%get3A_14] : memref<1xf32, #tpu.memory_space<vmem>>, vector<1xf32>
    %broadcast_in_dim3A = vector.shape_cast %get3A_15 : vector<1xf32> to vector<1xf32>
    %broadcast_in_dim3A_16 = vector.broadcast %broadcast_in_dim3A : vector<1xf32> to vector<16xf32>
    %swap3A_17 = arith.constant 0 : index
    %swap3A_18 = vector.load %arg8[%swap3A_17] : memref<16xf32, #tpu.memory_space<vmem>>, vector<16xf32>
    tpu.vector_store %arg8[%swap3A_17], %broadcast_in_dim3A_16 {strides = array<i32>} : memref<16xf32, #tpu.memory_space<vmem>>, vector<16xf32>,
    %get3A_19 = arith.constant 0 : index
    %get3A_20 = arith.constant 0 : index
    %get3A_21 = vector.load %arg4[%get3A_19, %get3A_20] : memref<20x4096xi32, #tpu.memory_space<vmem>>, vector<20x4096xi32>
    %reshape3A_22 = vector.shape_cast %get3A_21 : vector<20x4096xi32> to vector<81920xi32>
    %swap3A_23 = arith.constant 0 : index
    %swap3A_24 = vector.load %arg9[%swap3A_23] : memref<81920xi32, #tpu.memory_space<vmem>>, vector<81920xi32>
    tpu.vector_store %arg9[%swap3A_23], %reshape3A_22 {strides = array<i32>} : memref<81920xi32, #tpu.memory_space<vmem>>, vector<81920xi32>,
    %get3A_25 = arith.constant 0 : index
    %get3A_26 = arith.constant 0 : index
    %get3A_27 = vector.load %arg5[%get3A_25, %get3A_26] : memref<20x4096xi32, #tpu.memory_space<vmem>>, vector<20x4096xi32>
    %reshape3A_28 = vector.shape_cast %get3A_27 : vector<20x4096xi32> to vector<81920xi32>
    %swap3A_29 = arith.constant 0 : index
    %swap3A_30 = vector.load %arg10[%swap3A_29] : memref<81920xi32, #tpu.memory_space<vmem>>, vector<81920xi32>
    tpu.vector_store %arg10[%swap3A_29], %reshape3A_28 {strides = array<i32>} : memref<81920xi32, #tpu.memory_space<vmem>>, vector<81920xi32>,
    return
  }
}

</mosaic_0001>

<sc_bundles>
// kernel: kernel.4.cloned.1.call-start
scs
__scs_entry_jumppad:
0x0: {  	(pc) =	sbr.rel $0x88, $3  }
0x1: {  	(tag) =	ssettag $0x0;
	lr =	simm.s32 $0x1  }
0x2: {  	[smem:$0x3F9B] =	sst lr;
	_ =	strace $0xD0000000  }
0x3: {  	_ = 	snop  }
0x4: {  	_ = 	snop  }
0x5: {  	_ = 	snop  }
0x6: {  	_ = 	snop  }
0x7: {  	_ = 	snop  }
__scs_overlays_trampoline_lowered:
0x8: {  	[smem:$0x3FAA] =	sst s0  }
0x9: {  	[smem:$0x3FAB] =	sst s1  }
0xa: {  	[smem:$0x3FAC] =	sst s2  }
0xb: {  	[smem:$0x3FAD] =	sst s3  }
0xc: {  	[smem:$0x3FAE] =	sst s4  }
0xd: {  	[smem:$0x3FAF] =	sst s5  }
0xe: {  	[smem:$0x3FB0] =	sst s6  }
0xf: {  	[smem:$0x3FB1] =	sst s7  }
0x10: {  	[smem:$0x3FB2] =	sst s8  }
0x11: {  	[smem:$0x3FB3] =	sst s9;
	s0 =	simm.s32 @!p0 $0x0  }
0x12: {  	s1 =	sld [smem:$0x3F99];
	s0 =	simm.s32 @p0 $0x1  }
0x13: {  	[smem:$0x3FB4] =	sst s0;
	s0 =	simm.s32 @!p1 $0x0  }
0x14: {  	s2 =	sld [smem:$0x3F98];
	s0 =	simm.s32 @p1 $0x1  }
0x15: {  	[smem:$0x3FB5] =	sst s0;
	s0 =	simm.s32 @!p2 $0x0  }
0x16: {  	s3 =	sld [smem:$0x3FDB];
	s0 =	simm.s32 @p2 $0x1  }
0x17: {  	s4 =	simm.s32 $0x1BF5;
	[smem:$0x3FB7] =	sst s0  }
0x18: {  	s0 =	sld [smem:$0x3F9A];
	_ =	swait.ge [sflag:s4], $0x0  }
0x19: {  	s7 =	sld [smem:$0x3F9B]  }
0x1a: {  	s8 =	sadd.s32 $0xFFFFE003, lr  }
0x1b: {  	s9 =	sadd.s32 $0xFFFFFEF7, lr;
	s5 =	simm.s32 $0xFFFFFFFF;
	p2 =	slt.u32 s8, $0xFFFFF086  }
0x1c: {  	p1 =	slt.u32 s9, $0xF7A;
	s5 =	simm.s32 @!p2 $0x0  }
0x1d: {  	s5 =	simm.s32 @p1 $0x1;
	p0 =	seq.s32 s7, s2  }
0x1e: {  	s7 =	smul.u32 @!p0 $0xF7A, s2;
	p2 =	seq.s32 @!p0 s5, $0x0  }
0x1f: {  	s9 =	smul.u32 $0xF7A, s1;
	s8 =	simm.s32 @!p0 $0x1BF5;
	p2 =	por !p2, p0  }
0x20: {  	[sflag:s8] =	ssyncset.s32 @!p0 $0xFFFFF086;
	s6 =	sadd.s32 @!p0 s3, s7;
	s7 =	simm.s32 @!p0 $0x108  }
0x21: {  	s3 =	sadd.s32 s3, s9;
	s6 =	sadd.s32 @!p0 $0x88, s6;
	s7 =	simm.s32 @p2 $0x1082  }
0x22: {  	[simem:s7], [sflag:s8] =	dma.local @!p0 [hbm:s6], $0xF7A  }
0x23: {  	s9 =	sor.u32 $0xD0000000, s2;
	s6 =	simm.s32 $0x108;
	_ =	swait.ge @!p0 [sflag:s8], $0x0  }
0x24: {  	s3 =	sadd.s32 $0x88, s3;
	s6 =	simm.s32 @!p1 $0x1082;
	[sflag:s4] =	ssyncset.s32 $0xFFFFF086  }
0x25: {  	[simem:s6], [sflag:s4] =	dma.local [hbm:s3], $0xF7A  }
0x26: {  	[smem:$0x3F9B] =	sst s1;
	(tag) =	ssettag s2;
	_ =	strace s9  }
0x27: {  	s1 =	sld [smem:$0x3FAB]  }
0x28: {  	s2 =	sld [smem:$0x3FAC]  }
0x29: {  	s4 =	sld [smem:$0x3FAE]  }
0x2a: {  	p0 =	seq.s32 s5, $0x0;
	s5 =	sld [smem:$0x3FAF]  }
0x2b: {  	s6 =	sld [smem:$0x3FB0]  }
0x2c: {  	s7 =	sld [smem:$0x3FB1]  }
0x2d: {  	s3 =	simm.s32 $0x108;
	s8 =	sld [smem:$0x3FB2]  }
0x2e: {  	s3 =	simm.s32 @!p0 $0x1082;
	s9 =	sld [smem:$0x3FB3]  }
0x2f: {  	lr =	sadd.s32 s0, s3;
	s0 =	sld [smem:$0x3FAA]  }
0x30: {  	s3 =	sld [smem:$0x3FAD]  }
0x31: {  	[smem:$0x3FB6] =	sst s10  }
0x32: {  	s10 =	sld [smem:$0x3FB4];
	_ =	sdelay $0x3  }
0x33: {  	p0 =	seq.s32 s10, $0x1;
	s10 =	sld [smem:$0x3FB6];
	_ =	sdelay $0x3  }
0x34: {  	[smem:$0x3FB6] =	sst s10  }
0x35: {  	s10 =	sld [smem:$0x3FB5];
	_ =	sdelay $0x3  }
0x36: {  	p1 =	seq.s32 s10, $0x1;
	s10 =	sld [smem:$0x3FB6];
	_ =	sdelay $0x3  }
0x37: {  	[smem:$0x3FB6] =	sst s10  }
0x38: {  	s10 =	sld [smem:$0x3FB7]  }
0x39: {  	_ = 	snop;
	(pc) =	sbr.ind lr, $3  }
0x3a: {  	_ = 	snop  }
0x3b: {  	_ = 	snop  }
0x3c: {  	p2 =	seq.s32 s10, $0x1;
	s10 =	sld [smem:$0x3FB6]  }
0x3d: {  	_ =	shalt  }
0x3e: {  	_ =	shalt  }
0x3f: {  	_ =	shalt  }
0x40: {  	_ =	shalt  }
0x41: {  	_ =	shalt  }
0x42: {  	_ =	shalt  }
0x43: {  	_ =	shalt  }
0x44: {  	_ =	shalt  }
0x45: {  	_ =	shalt  }
0x46: {  	_ =	shalt  }
0x47: {  	_ =	shalt  }
0x48: {  	_ =	shalt  }
0x49: {  	_ =	shalt  }
0x4a: {  	_ =	shalt  }
0x4b: {  	_ =	shalt  }
0x4c: {  	_ =	shalt  }
0x4d: {  	_ =	shalt  }
0x4e: {  	_ =	shalt  }
0x4f: {  	_ =	shalt  }
0x50: {  	_ =	shalt  }
0x51: {  	_ =	shalt  }
0x52: {  	_ =	shalt  }
0x53: {  	_ =	shalt  }
0x54: {  	_ =	shalt  }
0x55: {  	_ =	shalt  }
0x56: {  	_ =	shalt  }
0x57: {  	_ =	shalt  }
0x58: {  	_ =	shalt  }
0x59: {  	_ =	shalt  }
0x5a: {  	_ =	shalt  }
0x5b: {  	_ =	shalt  }
0x5c: {  	_ =	shalt  }
0x5d: {  	_ =	shalt  }
0x5e: {  	_ =	shalt  }
0x5f: {  	_ =	shalt  }
0x60: {  	_ =	shalt  }
0x61: {  	_ =	shalt  }
0x62: {  	_ =	shalt  }
0x63: {  	_ =	shalt  }
0x64: {  	_ =	shalt  }
0x65: {  	_ =	shalt  }
0x66: {  	_ =	shalt  }
0x67: {  	_ =	shalt  }
0x68: {  	_ =	shalt  }
0x69: {  	_ =	shalt  }
0x6a: {  	_ =	shalt  }
0x6b: {  	_ =	shalt  }
0x6c: {  	_ =	shalt  }
0x6d: {  	_ =	shalt  }
0x6e: {  	_ =	shalt  }
0x6f: {  	_ =	shalt  }
0x70: {  	_ =	shalt  }
0x71: {  	_ =	shalt  }
0x72: {  	_ =	shalt  }
0x73: {  	_ =	shalt  }
0x74: {  	_ =	shalt  }
0x75: {  	_ =	shalt  }
0x76: {  	_ =	shalt  }
0x77: {  	_ =	shalt  }
0x78: {  	_ =	shalt  }
0x79: {  	_ =	shalt  }
0x7a: {  	_ =	shalt  }
0x7b: {  	_ =	shalt  }
0x7c: {  	_ =	shalt  }
0x7d: {  	_ =	shalt  }
0x7e: {  	_ =	shalt  }
0x7f: {  	_ =	shalt  }
0x80: {  	_ =	shalt  }
0x81: {  	_ =	shalt  }
0x82: {  	_ =	shalt  }
0x83: {  	_ =	shalt  }
0x84: {  	_ =	shalt  }
0x85: {  	_ =	shalt  }
0x86: {  	_ =	shalt  }
0x87: {  	_ =	shalt  }
.Lfunc_end0:
.L_simem_size_0:
called_computation_lowered:
.L_overlay_start_0:
0x88: {  	s2 =	sld [smem:$0x3FD9]  }
0x89: {  	s3 =	sld [smem:$0x3FFE];
	_ =	sdelay $0x1  }
0x8a: {  	s1 =	srdreg.scid  }
0x8b: {  	s0 =	sand.u32 $0x1, s1  }
0x8c: {  	s17 =	sshll.u32 s0, $0xA;
	s2 =	sadd.s32 s3, s2  }
0x8d: {  	s2 =	sadd.s32 s2, s17  }
0x8e: {  	[smem:$0x3FC2] =	sst s2  }
0x8f: {  	_ = 	snop  }
0x90: {  	s2 =	sld [smem:$0x3FD0];
	(tm) =	ssettm $0x1  }
0x91: {  	s18 =	sld [smem:$0x3FFB];
	_ =	sdelay $0x3  }
0x92: {  	_ =	strace s18  }
0x93: {  	s3 =	sld [smem:$0x3FFC];
	_ =	sdelay $0x3  }
0x94: {  	_ =	strace s3  }
0x95: {  	s3 =	sld [smem:$0x3FFD];
	_ =	sdelay $0x3  }
0x96: {  	_ =	strace s3  }
0x97: {  	_ =	strace $0x8FFFFFFF  }
0x98: {  	s19 =	sld [smem:$0x3FDB];
	_ =	sdelay $0x1  }
0x99: {  	s4 =	simm.s32 $_scs_section_size  }
0x9a: {  	s5 =	simm.s32 $_size__tile_overlayer_lowered;
	s6 =	simm.s32 $_tile_overlayer_lowered  }
0x9b: {  	s22 =	simm.s32 $0x1BFF;
	s21 =	sshll.u32 s6, $0x1;
	s3 =	sadd.s32 s4, s19  }
0x9c: {  	s7 =	simm.s32 $0x0;
	s20 =	sshll.u32 s5, $0x1;
	s5 =	sadd.s32 s21, s3  }
0x9d: {  	[timem:s7], [sflag:s22] =	dma.local [hbm:s5], s20  }
0x9e: {  	_ =	swait.ge [sflag:s22], s20  }
0x9f: {  	s4 =	ssub.s32 $0x0, s20;
	[sflag:s22] =	ssyncset.done $0x0  }
0xa0: {  	[sflag:s22] =	ssyncadd.s32 s4;
	_ =	sdelay $0x1  }
0xa1: {  	s23 =	simm.s32 $0x1B8B  }
0xa2: {  	_ =	swait.ge [sflag:s23], $0x1  }
0xa3: {  	[sflag:s23] =	ssyncset.done $0x0  }
0xa4: {  	s25 =	simm.s32 $0x1B8E;
	s24 =	sld [smem:$0x3FFE];
	[sflag:s23] =	ssyncadd.s32 $0xFFFFFFFF  }
0xa5: {  	s26 =	simm.s32 $execute0_lowered;
	[smem:$0x3FD2] =	sst s25  }
0xa6: {  	s5 =	sshll.u32 s26, $0x1;
	_ =	strace $0x80000046;
	[dreg:$0x1] =	wrdreg $0xFFFFFFFF  }
0xa7: {  	s28 =	simm.s32 $_size_execute0_lowered;
	s3 =	sadd.s32 s3, s5;
	[dreg:$0x0] =	wrdreg $0x0  }
0xa8: {  	s5 =	sshll.u32 s28, $0x1;
	[dreg:$0x2] =	wrdreg s3  }
0xa9: {  	[dreg:$0x3] =	wrdreg s5  }
0xaa: {  	[dreg:$0x4] =	wrdreg $0xC0  }
0xab: {  	_ =	task [dreg:s7], $0x5FFFF  }
0xac: {  	[dreg:$0x1] =	wrdreg $0xFFFFFFFF  }
0xad: {  	[dreg:$0x0] =	wrdreg $0x60  }
0xae: {  	[dreg:$0x2] =	wrdreg s24  }
0xaf: {  	[dreg:$0x3] =	wrdreg s2  }
0xb0: {  	[dreg:$0x4] =	wrdreg $0x29800  }
0xb1: {  	[dreg:$0x5] =	wrdreg $0x9  }
0xb2: {  	_ =	task.clear_ibuf [dreg:s7], $0x6FFFF;
	_ =	strace $0x90000046  }
0xb3: {  	s29 =	simm.s32 $0x9;
	_ =	strace $0x80000048  }
0xb4: {  	_ =	swait.ge [sflag:s29], $0x1  }
0xb5: {  	[sflag:s29] =	ssyncadd.s32 $0xFFFFFFFF  }
0xb6: {  	_ =	strace $0x90000048  }
0xb7: {  	_ =	sfence  }
0xb8: {  	s30 =	sld [smem:$0x0];
	_ =	sdelay $0x2  }
0xb9: {  	s31 =	sshll.u32 s1, $0xD;
	s1 =	sshrl.u32 s1, $0x2  }
0xba: {  	s3 =	sand.u32 $0x4000, s31;
	s1 =	sadd.s32 s1, s30  }
0xbb: {  	s0 =	sor.u32 s3, s0;
	s1 =	sshll.u32 s1, $0x11  }
0xbc: {  	s0 =	sor.u32 s1, s0  }
0xbd: {  	s0 =	sadd.s32 $0x8F2B, s0  }
0xbe: {  	[sflag:s0] =	ssyncadd.remote.s32 $0x1  }
0xbf: {  	_ =	sfence.sel $0xFFFF  }
0xc0: {  	[dreg:$0x0] =	wrdreg $0xFFFFFFFF;
	(pc) =	sbr.abs _section_cstart, $3  }
0xc1: {  	[dreg:$0x1] =	wrdreg $0xFFFFFFFF  }
0xc2: {  	_ =	task.clear_ibuf [dreg:s7], $0x2FFFF;
	_ =	strace $0x9FFFFFFF  }
0xc3: {  	(tm) =	ssettm $0x7FFFFFFF  }
tec
execute0_lowered:
.L_overlay_start_1:
0x0: {  	(tag) =	ssettag $0x1  }
0x1: {  	s0 =	rddreg [dreg:$0x0]  }
0x2: {  	s2 =	rddreg [dreg:$0x1];
	s12 =	stileid.u32  }
0x3: {  	s1 =	rddreg [dreg:$0x2];
	s3 =	simm.s32 $0x0;
	s7 =	sshll.u32 s12, $0x5  }
0x4: {  	s5 =	srdreg.scid;
	[smem:$0x7FF] =	sst s3;
	s9 =	sadd.s32 s7, s0  }
0x5: {  	s8 =	sand.u32 $0x1, s5;
	p1 =	seq.s32 s12, $0x0;
	s26 =	sadd.s32 $0x7E00, s9  }
0x6: {  	_ =	strace $0x80000047;
	s31 =	sadd.s32 $0x8000, s9;
	[dreg:$0x4] =	wrdreg s26  }
0x7: {  	s25 =	sor.u32 s12, s8;
	s12 =	sadd.s32 $0x8200, s9;
	[dreg:$0x5] =	wrdreg s31  }
0x8: {  	s13 =	sadd.s32 $0x8400, s9;
	[dreg:$0x6] =	wrdreg s12  }
0x9: {  	s14 =	sadd.s32 $0x8600, s9;
	[dreg:$0x7] =	wrdreg s13  }
0xa: {  	s15 =	sadd.s32 $0x8800, s9;
	[dreg:$0x8] =	wrdreg s14  }
0xb: {  	s16 =	sadd.s32 $0x8A00, s9;
	[dreg:$0x9] =	wrdreg s15  }
0xc: {  	s17 =	sadd.s32 $0x8C00, s9;
	[dreg:$0xa] =	wrdreg s16  }
0xd: {  	s18 =	sadd.s32 $0x8E00, s9;
	[dreg:$0xb] =	wrdreg s17  }
0xe: {  	s4 =	sadd.s32 $0x1A00, s0;
	s19 =	sadd.s32 $0x9000, s9;
	[dreg:$0xc] =	wrdreg s18  }
0xf: {  	s5 =	sadd.s32 $0x4C00, s0;
	s20 =	sadd.s32 $0x9200, s9;
	[dreg:$0xd] =	wrdreg s19  }
0x10: {  	s10 =	ssub.s32 $0x2, s8;
	s22 =	sadd.s32 $0x9400, s9;
	[dreg:$0xe] =	wrdreg s20  }
0x11: {  	p0 =	seq.s32 s8, $0x1;
	s23 =	sadd.s32 $0x9600, s9;
	[dreg:$0xf] =	wrdreg s22  }
0x12: {  	s21 =	sshll.u32 s8, $0x9;
	s24 =	sadd.s32 $0x9800, s9;
	[dreg:$0x10] =	wrdreg s23  }
0x13: {  	p2 =	sne.s32 s25, $0x0;
	s25 =	sadd.s32 $0x9A00, s9;
	[dreg:$0x11] =	wrdreg s24  }
0x14: {  	s2 =	sadd.s32 s2, s7;
	s7 =	sadd.s32 $0xA000, s9;
	[dreg:$0x12] =	wrdreg s25  }
0x15: {  	p3 =	sne.s32 s8, $0x0;
	s8 =	sadd.s32 $0xA200, s9;
	[dreg:$0x15] =	wrdreg s7  }
0x16: {  	s6 =	sadd.s32 $0xCE00, s0;
	s26 =	sadd.s32 $0x9C00, s9;
	[dreg:$0x16] =	wrdreg s8  }
0x17: {  	s11 =	sshrl.u32 s10, $0x1;
	s31 =	sadd.s32 $0x9E00, s9;
	[dreg:$0x13] =	wrdreg s26  }
0x18: {  	s0 =	ssub.s32 s10, s11;
	s10 =	sadd.s32 $0xA400, s9;
	[dreg:$0x14] =	wrdreg s31  }
0x19: {  	s11 =	sadd.s32 $0xA600, s9;
	[dreg:$0x17] =	wrdreg s10  }
0x1a: {  	s12 =	sadd.s32 $0xA800, s9;
	[dreg:$0x18] =	wrdreg s11  }
0x1b: {  	s13 =	sadd.s32 $0xAA00, s9;
	[dreg:$0x19] =	wrdreg s12  }
0x1c: {  	s14 =	sadd.s32 $0xAC00, s9;
	[dreg:$0x1a] =	wrdreg s13  }
0x1d: {  	s15 =	sadd.s32 $0xAE00, s9;
	[dreg:$0x1b] =	wrdreg s14  }
0x1e: {  	s16 =	sadd.s32 $0xB000, s9;
	[dreg:$0x1c] =	wrdreg s15  }
0x1f: {  	s17 =	sadd.s32 $0xB200, s9;
	[dreg:$0x1d] =	wrdreg s16  }
0x20: {  	s28 =	simm.s32 $0x1300;
	s18 =	sadd.s32 $0xB400, s9;
	[dreg:$0x1e] =	wrdreg s17  }
0x21: {  	s29 =	simm.s32 $0x2900;
	s19 =	sadd.s32 $0xB600, s9;
	[dreg:$0x1f] =	wrdreg s18  }
0x22: {  	s20 =	sadd.s32 s21, s2;
	s21 =	sadd.s32 $0xB800, s9;
	[smem:$0x7F6] =	sst s19  }
0x23: {  	s30 =	simm.s32 $0x2800;
	s22 =	sadd.s32 $0xBA00, s9;
	[smem:$0x7F7] =	sst s21  }
0x24: {  	p1 =	por !p1, !p0;
	s23 =	sadd.s32 $0xBC00, s9;
	[smem:$0x7F8] =	sst s22  }
0x25: {  	p1 =	por !p1, !p1;
	s24 =	sadd.s32 $0xBE00, s9;
	[smem:$0x7F9] =	sst s23  }
0x26: {  	s25 =	sadd.s32 $0xC000, s9;
	s8 =	simm.s32 $0xA00;
	[smem:$0x7FA] =	sst s24  }
0x27: {  	s2 =	simm.s32 $0xD00;
	[smem:$0x7FB] =	sst s25;
	s26 =	sadd.s32 $0xC200, s9  }
0x28: {  	s31 =	sadd.s32 $0xC400, s9;
	s19 =	sadd.s32 $0xC600, s9;
	s21 =	sadd.s32 $0xC800, s9  }
0x29: {  	s22 =	sadd.s32 $0xCA00, s9;
	s23 =	sadd.s32 $0xCC00, s9;
	s24 =	smax.u32 s0, $0x1  }
0x2a: {  	s9 =	simm.s32 $0xB00;
	s10 =	simm.s32 $0xC00;
	s11 =	simm.s32 $0xE00  }
0x2b: {  	s25 =	simm.s32 $0xF00;
	s12 =	simm.s32 $0x1000;
	s13 =	simm.s32 $0x1200  }
0x2c: {  	s14 =	simm.s32 $0x1;
	s15 =	simm.s32 $0x2;
	[smem:$0x7FC] =	sst s26  }
0x2d: {  	s16 =	simm.s32 $0x0;
	[smem:$0x7FD] =	sst s31;
	s26 =	simm.s32 $0x1100  }
.LBB2_1:
0x2e: {  	s0 =	stileid.u32  }
0x2f: {  	s0 =	sshll.u32 @!p2 s0, $0x6  }
0x30: {  	s7 =	sshrl.u32 @!p2 s1, $0x3;
	s0 =	sor.u32 @!p2 $0x1C02, s0  }
0x31: {  	[spmem:s7], [sflag:s0] =	dma.local @!p2 [hbm:s4], $0x30E0  }
0x32: {  	s0 =	simm.s32 @!p2 $0x2  }
0x33: {  	_ =	swait.ge @!p2 [sflag:s0], $0x30E0  }
0x34: {  	[sflag:s0] =	ssyncset.done @!p2 $0x0  }
0x35: {  	s7 =	simm.s32 @p1 $0x1C02;
	[sflag:s0] =	ssyncadd.s32 @!p2 $0xFFFFCF20;
	s0 =	sshrl.u32 @p1 s1, $0x3  }
0x36: {  	[spmem:s0], [sflag:s7] =	dma.local @p1 [hbm:s5], $0x30E0  }
.Ltmp0:
0x37: {  	_ = 	snop;
	(pc) =	sbr.rel @p3 .LBB2_3-.Ltmp0, $4  }
0x38: {  	s0 =	simm.s32 @p1 $0x2  }
0x39: {  	_ =	swait.ge @p1 [sflag:s0], $0x30E0  }
0x3a: {  	[sflag:s0] =	ssyncset.done @p1 $0x0  }
0x3b: {  	[sflag:s0] =	ssyncadd.s32 @p1 $0xFFFFCF20  }
0x3c: {  	s0 =	rddreg [dreg:$0x4]  }
0x3d: {  	[tilespmem:s3], [sflag:$0x1] =	stream.linear.gather [hbm4b:s0+s3], $0x100, $0x38;
	[tilespmem:$0x41F0] =	vst v63  }
0x3e: {  	s17 =	rddreg [dreg:$0x5];
	s7 =	simm.s32 $0x100  }
0x3f: {  	[tilespmem:s7], [sflag:$0x1] =	stream.linear.gather [hbm4b:s17+s3], $0x100, $0x38;
	[tilespmem:$0x41F0] =	vst v63  }
0x40: {  	s18 =	rddreg [dreg:$0x6];
	s31 =	simm.s32 $0x200  }
0x41: {  	[tilespmem:s31], [sflag:$0x1] =	stream.linear.gather [hbm4b:s18+s3], $0x100, $0x38;
	[tilespmem:$0x41F0] =	vst v63  }
0x42: {  	s7 =	rddreg [dreg:$0x7];
	s17 =	simm.s32 $0x300  }
0x43: {  	[tilespmem:s17], [sflag:$0x1] =	stream.linear.gather [hbm4b:s7+s3], $0x100, $0x38;
	[tilespmem:$0x41F0] =	vst v63  }
0x44: {  	s18 =	rddreg [dreg:$0x8];
	s31 =	simm.s32 $0x400  }
0x45: {  	[tilespmem:s31], [sflag:$0x1] =	stream.linear.gather [hbm4b:s18+s3], $0x100, $0x38;
	[tilespmem:$0x41F0] =	vst v63  }
0x46: {  	s7 =	rddreg [dreg:$0x9];
	s17 =	simm.s32 $0x500  }
0x47: {  	[tilespmem:s17], [sflag:$0x1] =	stream.linear.gather [hbm4b:s7+s3], $0x100, $0x38;
	[tilespmem:$0x41F0] =	vst v63  }
0x48: {  	s18 =	rddreg [dreg:$0xa];
	s31 =	simm.s32 $0x600  }
0x49: {  	[tilespmem:s31], [sflag:$0x1] =	stream.linear.gather [hbm4b:s18+s3], $0x100, $0x38;
	[tilespmem:$0x41F0] =	vst v63  }
0x4a: {  	s7 =	rddreg [dreg:$0xb];
	s17 =	simm.s32 $0x700  }
0x4b: {  	[tilespmem:s17], [sflag:$0x1] =	stream.linear.gather [hbm4b:s7+s3], $0x100, $0x38;
	[tilespmem:$0x41F0] =	vst v63  }
0x4c: {  	s18 =	rddreg [dreg:$0xc];
	s31 =	simm.s32 $0x800  }
0x4d: {  	[tilespmem:s31], [sflag:$0x1] =	stream.linear.gather [hbm4b:s18+s3], $0x100, $0x38;
	[tilespmem:$0x41F0] =	vst v63  }
0x4e: {  	s7 =	rddreg [dreg:$0xd];
	s17 =	simm.s32 $0x900  }
0x4f: {  	[tilespmem:s17], [sflag:$0x1] =	stream.linear.gather [hbm4b:s7+s3], $0x100, $0x38;
	[tilespmem:$0x41F0] =	vst v63  }
0x50: {  	s18 =	rddreg [dreg:$0xe]  }
0x51: {  	[tilespmem:s8], [sflag:$0x1] =	stream.linear.gather [hbm4b:s18+s3], $0x100, $0x38;
	[tilespmem:$0x41F0] =	vst v63  }
0x52: {  	s31 =	rddreg [dreg:$0xf]  }
0x53: {  	[tilespmem:s9], [sflag:$0x1] =	stream.linear.gather [hbm4b:s31+s3], $0x100, $0x38;
	[tilespmem:$0x41F0] =	vst v63  }
0x54: {  	s7 =	rddreg [dreg:$0x10]  }
0x55: {  	[tilespmem:s10], [sflag:$0x1] =	stream.linear.gather [hbm4b:s7+s3], $0x100, $0x38;
	[tilespmem:$0x41F0] =	vst v63  }
0x56: {  	s17 =	rddreg [dreg:$0x11]  }
0x57: {  	[tilespmem:s2], [sflag:$0x1] =	stream.linear.gather [hbm4b:s17+s3], $0x100, $0x38;
	[tilespmem:$0x41F0] =	vst v63  }
0x58: {  	s18 =	rddreg [dreg:$0x12]  }
0x59: {  	[tilespmem:s11], [sflag:$0x1] =	stream.linear.gather [hbm4b:s18+s3], $0x100, $0x38;
	[tilespmem:$0x41F0] =	vst v63  }
0x5a: {  	s31 =	rddreg [dreg:$0x13]  }
0x5b: {  	[tilespmem:s25], [sflag:$0x1] =	stream.linear.gather [hbm4b:s31+s3], $0x100, $0x38;
	[tilespmem:$0x41F0] =	vst v63  }
0x5c: {  	s7 =	rddreg [dreg:$0x14]  }
0x5d: {  	[tilespmem:s12], [sflag:$0x1] =	stream.linear.gather [hbm4b:s7+s3], $0x100, $0x38;
	[tilespmem:$0x41F0] =	vst v63  }
0x5e: {  	s17 =	rddreg [dreg:$0x15]  }
0x5f: {  	[tilespmem:s26], [sflag:$0x1] =	stream.linear.gather [hbm4b:s17+s3], $0x100, $0x38;
	[tilespmem:$0x41F0] =	vst v63  }
0x60: {  	s18 =	rddreg [dreg:$0x16]  }
0x61: {  	[tilespmem:s13], [sflag:$0x1] =	stream.linear.gather [hbm4b:s18+s3], $0x100, $0x38;
	[tilespmem:$0x41F0] =	vst v63  }
0x62: {  	s31 =	rddreg [dreg:$0x17]  }
0x63: {  	[tilespmem:s28], [sflag:$0x1] =	stream.linear.gather [hbm4b:s31+s3], $0x100, $0x38;
	[tilespmem:$0x41F0] =	vst v63  }
0x64: {  	_ =	swait.ge [sflag:s14], $0x100  }
0x65: {  	[sflag:s14] =	ssyncset.done $0x0  }
0x66: {  	[sflag:s14] =	ssyncadd.s32 $0xFFFFFF00  }
0x67: {  	_ =	swait.ge [sflag:s14], $0x100  }
0x68: {  	[sflag:s14] =	ssyncset.done $0x0  }
0x69: {  	[sflag:s14] =	ssyncadd.s32 $0xFFFFFF00  }
0x6a: {  	_ =	swait.ge [sflag:s14], $0x100  }
0x6b: {  	[sflag:s14] =	ssyncset.done $0x0  }
0x6c: {  	[sflag:s14] =	ssyncadd.s32 $0xFFFFFF00  }
0x6d: {  	_ =	swait.ge [sflag:s14], $0x100  }
0x6e: {  	[sflag:s14] =	ssyncset.done $0x0  }
0x6f: {  	[sflag:s14] =	ssyncadd.s32 $0xFFFFFF00  }
0x70: {  	_ =	swait.ge [sflag:s14], $0x100  }
0x71: {  	[sflag:s14] =	ssyncset.done $0x0  }
0x72: {  	[sflag:s14] =	ssyncadd.s32 $0xFFFFFF00  }
0x73: {  	_ =	swait.ge [sflag:s14], $0x100  }
0x74: {  	[sflag:s14] =	ssyncset.done $0x0  }
0x75: {  	[sflag:s14] =	ssyncadd.s32 $0xFFFFFF00  }
0x76: {  	_ =	swait.ge [sflag:s14], $0x100  }
0x77: {  	[sflag:s14] =	ssyncset.done $0x0  }
0x78: {  	[sflag:s14] =	ssyncadd.s32 $0xFFFFFF00  }
0x79: {  	_ =	swait.ge [sflag:s14], $0x100  }
0x7a: {  	[sflag:s14] =	ssyncset.done $0x0  }
0x7b: {  	[sflag:s14] =	ssyncadd.s32 $0xFFFFFF00  }
0x7c: {  	_ =	swait.ge [sflag:s14], $0x100  }
0x7d: {  	[sflag:s14] =	ssyncset.done $0x0  }
0x7e: {  	[sflag:s14] =	ssyncadd.s32 $0xFFFFFF00  }
0x7f: {  	_ =	swait.ge [sflag:s14], $0x100  }
0x80: {  	[sflag:s14] =	ssyncset.done $0x0  }
0x81: {  	[sflag:s14] =	ssyncadd.s32 $0xFFFFFF00  }
0x82: {  	_ =	swait.ge [sflag:s14], $0x100  }
0x83: {  	[sflag:s14] =	ssyncset.done $0x0  }
0x84: {  	[sflag:s14] =	ssyncadd.s32 $0xFFFFFF00  }
0x85: {  	_ =	swait.ge [sflag:s14], $0x100  }
0x86: {  	[sflag:s14] =	ssyncset.done $0x0  }
0x87: {  	[sflag:s14] =	ssyncadd.s32 $0xFFFFFF00  }
0x88: {  	_ =	swait.ge [sflag:s14], $0x100  }
0x89: {  	[sflag:s14] =	ssyncset.done $0x0  }
0x8a: {  	[sflag:s14] =	ssyncadd.s32 $0xFFFFFF00  }
0x8b: {  	_ =	swait.ge [sflag:s14], $0x100  }
0x8c: {  	[sflag:s14] =	ssyncset.done $0x0  }
0x8d: {  	[sflag:s14] =	ssyncadd.s32 $0xFFFFFF00  }
0x8e: {  	_ =	swait.ge [sflag:s14], $0x100  }
0x8f: {  	[sflag:s14] =	ssyncset.done $0x0  }
0x90: {  	[sflag:s14] =	ssyncadd.s32 $0xFFFFFF00  }
0x91: {  	_ =	swait.ge [sflag:s14], $0x100  }
0x92: {  	[sflag:s14] =	ssyncset.done $0x0  }
0x93: {  	[sflag:s14] =	ssyncadd.s32 $0xFFFFFF00  }
0x94: {  	_ =	swait.ge [sflag:s14], $0x100  }
0x95: {  	[sflag:s14] =	ssyncset.done $0x0  }
0x96: {  	[sflag:s14] =	ssyncadd.s32 $0xFFFFFF00  }
0x97: {  	_ =	swait.ge [sflag:s14], $0x100  }
0x98: {  	[sflag:s14] =	ssyncset.done $0x0  }
0x99: {  	[sflag:s14] =	ssyncadd.s32 $0xFFFFFF00  }
0x9a: {  	_ =	swait.ge [sflag:s14], $0x100  }
0x9b: {  	[sflag:s14] =	ssyncset.done $0x0  }
0x9c: {  	[sflag:s14] =	ssyncadd.s32 $0xFFFFFF00  }
0x9d: {  	_ =	swait.ge [sflag:s14], $0x100  }
0x9e: {  	[sflag:s14] =	ssyncset.done $0x0  }
0x9f: {  	[sflag:s14] =	ssyncadd.s32 $0xFFFFFF00  }
.LBB2_3:
.Ltmp1:
0xa0: {  	(pc) =	sbr.rel @!p0 .LBB2_5-.Ltmp1, $1  }
0xa1: {  	_ =	sdelay $0x3  }
0xa2: {  	s0 =	rddreg [dreg:$0x18]  }
0xa3: {  	s17 =	rddreg [dreg:$0x19]  }
0xa4: {  	[tilespmem:s3], [sflag:$0x1] =	stream.linear.gather [hbm4b:s0+s3], $0x100, $0x38;
	[tilespmem:$0x41F0] =	vst v63  }
0xa5: {  	s7 =	simm.s32 $0x100;
	s18 =	rddreg [dreg:$0x1a]  }
0xa6: {  	[tilespmem:s7], [sflag:$0x1] =	stream.linear.gather [hbm4b:s17+s3], $0x100, $0x38;
	[tilespmem:$0x41F0] =	vst v63  }
0xa7: {  	s31 =	simm.s32 $0x200;
	s7 =	rddreg [dreg:$0x1b]  }
0xa8: {  	[tilespmem:s31], [sflag:$0x1] =	stream.linear.gather [hbm4b:s18+s3], $0x100, $0x38;
	[tilespmem:$0x41F0] =	vst v63  }
0xa9: {  	s17 =	simm.s32 $0x300;
	s18 =	rddreg [dreg:$0x1c]  }
0xaa: {  	[tilespmem:s17], [sflag:$0x1] =	stream.linear.gather [hbm4b:s7+s3], $0x100, $0x38;
	[tilespmem:$0x41F0] =	vst v63  }
0xab: {  	s31 =	simm.s32 $0x400;
	s7 =	rddreg [dreg:$0x1d]  }
0xac: {  	[tilespmem:s31], [sflag:$0x1] =	stream.linear.gather [hbm4b:s18+s3], $0x100, $0x38;
	[tilespmem:$0x41F0] =	vst v63  }
0xad: {  	s17 =	simm.s32 $0x500;
	s18 =	rddreg [dreg:$0x1e]  }
0xae: {  	[tilespmem:s17], [sflag:$0x1] =	stream.linear.gather [hbm4b:s7+s3], $0x100, $0x38;
	[tilespmem:$0x41F0] =	vst v63  }
0xaf: {  	s31 =	simm.s32 $0x600;
	s7 =	rddreg [dreg:$0x1f]  }
0xb0: {  	[tilespmem:s31], [sflag:$0x1] =	stream.linear.gather [hbm4b:s18+s3], $0x100, $0x38;
	[tilespmem:$0x41F0] =	vst v63  }
0xb1: {  	s17 =	simm.s32 $0x700;
	s18 =	sld [smem:$0x7F6]  }
0xb2: {  	[tilespmem:s17], [sflag:$0x1] =	stream.linear.gather [hbm4b:s7+s3], $0x100, $0x38;
	[tilespmem:$0x41F0] =	vst v63  }
0xb3: {  	s31 =	simm.s32 $0x800;
	s7 =	sld [smem:$0x7F7]  }
0xb4: {  	[tilespmem:s31], [sflag:$0x1] =	stream.linear.gather [hbm4b:s18+s3], $0x100, $0x38;
	[tilespmem:$0x41F0] =	vst v63  }
0xb5: {  	s17 =	simm.s32 $0x900;
	s18 =	sld [smem:$0x7F8]  }
0xb6: {  	[tilespmem:s17], [sflag:$0x1] =	stream.linear.gather [hbm4b:s7+s3], $0x100, $0x38;
	[tilespmem:$0x41F0] =	vst v63  }
0xb7: {  	s31 =	sld [smem:$0x7F9]  }
0xb8: {  	[tilespmem:s8], [sflag:$0x1] =	stream.linear.gather [hbm4b:s18+s3], $0x100, $0x38;
	[tilespmem:$0x41F0] =	vst v63  }
0xb9: {  	s7 =	sld [smem:$0x7FA]  }
0xba: {  	[tilespmem:s9], [sflag:$0x1] =	stream.linear.gather [hbm4b:s31+s3], $0x100, $0x38;
	[tilespmem:$0x41F0] =	vst v63  }
0xbb: {  	s17 =	sld [smem:$0x7FB]  }
0xbc: {  	[tilespmem:s10], [sflag:$0x1] =	stream.linear.gather [hbm4b:s7+s3], $0x100, $0x38;
	[tilespmem:$0x41F0] =	vst v63  }
0xbd: {  	s18 =	sld [smem:$0x7FC]  }
0xbe: {  	[tilespmem:s2], [sflag:$0x1] =	stream.linear.gather [hbm4b:s17+s3], $0x100, $0x38;
	[tilespmem:$0x41F0] =	vst v63  }
0xbf: {  	s31 =	sld [smem:$0x7FD]  }
0xc0: {  	[tilespmem:s11], [sflag:$0x1] =	stream.linear.gather [hbm4b:s18+s3], $0x100, $0x38;
	[tilespmem:$0x41F0] =	vst v63  }
0xc1: {  	_ = 	snop  }
0xc2: {  	[tilespmem:s25], [sflag:$0x1] =	stream.linear.gather [hbm4b:s31+s3], $0x100, $0x38;
	[tilespmem:$0x41F0] =	vst v63  }
0xc3: {  	_ = 	snop  }
0xc4: {  	[tilespmem:s12], [sflag:$0x1] =	stream.linear.gather [hbm4b:s19+s3], $0x100, $0x38;
	[tilespmem:$0x41F0] =	vst v63  }
0xc5: {  	_ = 	snop  }
0xc6: {  	[tilespmem:s26], [sflag:$0x1] =	stream.linear.gather [hbm4b:s21+s3], $0x100, $0x38;
	[tilespmem:$0x41F0] =	vst v63  }
0xc7: {  	_ = 	snop  }
0xc8: {  	[tilespmem:s13], [sflag:$0x1] =	stream.linear.gather [hbm4b:s22+s3], $0x100, $0x38;
	[tilespmem:$0x41F0] =	vst v63  }
0xc9: {  	_ = 	snop  }
0xca: {  	[tilespmem:s28], [sflag:$0x1] =	stream.linear.gather [hbm4b:s23+s3], $0x100, $0x38;
	[tilespmem:$0x41F0] =	vst v63  }
0xcb: {  	_ =	swait.ge [sflag:s14], $0x100  }
0xcc: {  	[sflag:s14] =	ssyncset.done $0x0  }
0xcd: {  	[sflag:s14] =	ssyncadd.s32 $0xFFFFFF00  }
0xce: {  	_ =	swait.ge [sflag:s14], $0x100  }
0xcf: {  	[sflag:s14] =	ssyncset.done $0x0  }
0xd0: {  	[sflag:s14] =	ssyncadd.s32 $0xFFFFFF00  }
0xd1: {  	_ =	swait.ge [sflag:s14], $0x100  }
0xd2: {  	[sflag:s14] =	ssyncset.done $0x0  }
0xd3: {  	[sflag:s14] =	ssyncadd.s32 $0xFFFFFF00  }
0xd4: {  	_ =	swait.ge [sflag:s14], $0x100  }
0xd5: {  	[sflag:s14] =	ssyncset.done $0x0  }
0xd6: {  	[sflag:s14] =	ssyncadd.s32 $0xFFFFFF00  }
0xd7: {  	_ =	swait.ge [sflag:s14], $0x100  }
0xd8: {  	[sflag:s14] =	ssyncset.done $0x0  }
0xd9: {  	[sflag:s14] =	ssyncadd.s32 $0xFFFFFF00  }
0xda: {  	_ =	swait.ge [sflag:s14], $0x100  }
0xdb: {  	[sflag:s14] =	ssyncset.done $0x0  }
0xdc: {  	[sflag:s14] =	ssyncadd.s32 $0xFFFFFF00  }
0xdd: {  	_ =	swait.ge [sflag:s14], $0x100  }
0xde: {  	[sflag:s14] =	ssyncset.done $0x0  }
0xdf: {  	[sflag:s14] =	ssyncadd.s32 $0xFFFFFF00  }
0xe0: {  	_ =	swait.ge [sflag:s14], $0x100  }
0xe1: {  	[sflag:s14] =	ssyncset.done $0x0  }
0xe2: {  	[sflag:s14] =	ssyncadd.s32 $0xFFFFFF00  }
0xe3: {  	_ =	swait.ge [sflag:s14], $0x100  }
0xe4: {  	[sflag:s14] =	ssyncset.done $0x0  }
0xe5: {  	[sflag:s14] =	ssyncadd.s32 $0xFFFFFF00  }
0xe6: {  	_ =	swait.ge [sflag:s14], $0x100  }
0xe7: {  	[sflag:s14] =	ssyncset.done $0x0  }
0xe8: {  	[sflag:s14] =	ssyncadd.s32 $0xFFFFFF00  }
0xe9: {  	_ =	swait.ge [sflag:s14], $0x100  }
0xea: {  	[sflag:s14] =	ssyncset.done $0x0  }
0xeb: {  	[sflag:s14] =	ssyncadd.s32 $0xFFFFFF00  }
0xec: {  	_ =	swait.ge [sflag:s14], $0x100  }
0xed: {  	[sflag:s14] =	ssyncset.done $0x0  }
0xee: {  	[sflag:s14] =	ssyncadd.s32 $0xFFFFFF00  }
0xef: {  	_ =	swait.ge [sflag:s14], $0x100  }
0xf0: {  	[sflag:s14] =	ssyncset.done $0x0  }
0xf1: {  	[sflag:s14] =	ssyncadd.s32 $0xFFFFFF00  }
0xf2: {  	_ =	swait.ge [sflag:s14], $0x100  }
0xf3: {  	[sflag:s14] =	ssyncset.done $0x0  }
0xf4: {  	[sflag:s14] =	ssyncadd.s32 $0xFFFFFF00  }
0xf5: {  	_ =	swait.ge [sflag:s14], $0x100  }
0xf6: {  	[sflag:s14] =	ssyncset.done $0x0  }
0xf7: {  	[sflag:s14] =	ssyncadd.s32 $0xFFFFFF00  }
0xf8: {  	_ =	swait.ge [sflag:s14], $0x100  }
0xf9: {  	[sflag:s14] =	ssyncset.done $0x0  }
0xfa: {  	[sflag:s14] =	ssyncadd.s32 $0xFFFFFF00  }
0xfb: {  	_ =	swait.ge [sflag:s14], $0x100  }
0xfc: {  	[sflag:s14] =	ssyncset.done $0x0  }
0xfd: {  	[sflag:s14] =	ssyncadd.s32 $0xFFFFFF00  }
0xfe: {  	_ =	swait.ge [sflag:s14], $0x100  }
0xff: {  	[sflag:s14] =	ssyncset.done $0x0  }
0x100: {  	[sflag:s14] =	ssyncadd.s32 $0xFFFFFF00  }
0x101: {  	_ =	swait.ge [sflag:s14], $0x100  }
0x102: {  	[sflag:s14] =	ssyncset.done $0x0  }
0x103: {  	[sflag:s14] =	ssyncadd.s32 $0xFFFFFF00  }
0x104: {  	_ =	swait.ge [sflag:s14], $0x100  }
0x105: {  	[sflag:s14] =	ssyncset.done $0x0  }
0x106: {  	[sflag:s14] =	ssyncadd.s32 $0xFFFFFF00  }
.LBB2_5:
0x107: {  	[bflag:$0x0] =	sbarrier.arrive $0xFFFF;
	s0 =	simm.s32 $0x0;
	s7 =	simm.s32 $0x1400  }
0x108: {  	[tilespmem:s7], [sflag:$0x1] =	stream.indirect.gather [spmem:s1], $0x1, s0, s7, $0xb8;
	[tilespmem:$0x41F0] =	vst v63  }
0x109: {  	_ =	swait.ge [sflag:s14], $0x1400  }
0x10a: {  	[sflag:s14] =	ssyncset.done $0x0  }
0x10b: {  	[sflag:s14] =	ssyncadd.s32 $0xFFFFEC00  }
0x10c: {  	[tilespmem:s29], [sflag:$0x2] =	stream.linear.gather [hbm4b:s6+s0], $0x80, $0x38;
	[tilespmem:$0x41F0] =	vst v63  }
0x10d: {  	_ =	swait.ge [sflag:s15], $0x80  }
0x10e: {  	[sflag:s15] =	ssyncset.done $0x0  }
0x10f: {  	[sflag:s15] =	ssyncadd.s32 $0xFFFFFF80  }
0x110: {  	v0 =	vld [tilespmem:$0x2900]  }
0x111: {  	v1 =	vld [tilespmem:s7+$0x0]  }
0x112: {  	s0 =	sand.u32 $0xF0, s0  }
0x113: {  	v2 =	vld [tilespmem:s0+$0x1500];
	_ =	sdelay $0x1  }
0x114: {  	v3 =	vld [tilespmem:s0+$0x1600]  }
0x115: {  	v1 =	vadd.f32 v1, v0  }
0x116: {  	v4 =	vld [tilespmem:s0+$0x1700]  }
0x117: {  	v1 =	vadd.f32 v2, v1  }
0x118: {  	v2 =	vld [tilespmem:s0+$0x1800]  }
0x119: {  	v1 =	vadd.f32 v3, v1  }
0x11a: {  	v3 =	vld [tilespmem:s0+$0x1900]  }
0x11b: {  	v1 =	vadd.f32 v4, v1  }
0x11c: {  	v59 =	vld [tilespmem:s0+$0x1A00]  }
0x11d: {  	v1 =	vadd.f32 v2, v1  }
0x11e: {  	v2 =	vld [tilespmem:s0+$0x1B00]  }
0x11f: {  	v1 =	vadd.f32 v3, v1  }
0x120: {  	v3 =	vld [tilespmem:s0+$0x1C00]  }
0x121: {  	v1 =	vadd.f32 v59, v1  }
0x122: {  	v60 =	vld [tilespmem:s0+$0x1D00]  }
0x123: {  	v1 =	vadd.f32 v2, v1  }
0x124: {  	v2 =	vld [tilespmem:s0+$0x1E00]  }
0x125: {  	v1 =	vadd.f32 v3, v1  }
0x126: {  	v3 =	vld [tilespmem:s0+$0x1F00]  }
0x127: {  	v1 =	vadd.f32 v60, v1  }
0x128: {  	v61 =	vld [tilespmem:s0+$0x2000]  }
0x129: {  	v1 =	vadd.f32 v2, v1  }
0x12a: {  	v2 =	vld [tilespmem:s0+$0x2100]  }
0x12b: {  	v1 =	vadd.f32 v3, v1  }
0x12c: {  	v3 =	vld [tilespmem:s0+$0x2200]  }
0x12d: {  	v1 =	vadd.f32 v61, v1  }
0x12e: {  	v62 =	vld [tilespmem:s0+$0x2300]  }
0x12f: {  	v1 =	vadd.f32 v2, v1  }
0x130: {  	v2 =	vld [tilespmem:s0+$0x2400]  }
0x131: {  	v1 =	vadd.f32 v3, v1  }
0x132: {  	v3 =	vld [tilespmem:s0+$0x2500]  }
0x133: {  	v1 =	vadd.f32 v62, v1  }
0x134: {  	v63 =	vld [tilespmem:s0+$0x2600]  }
0x135: {  	v1 =	vadd.f32 v2, v1  }
0x136: {  	v2 =	vld [tilespmem:s0+$0x2700]  }
0x137: {  	v1 =	vadd.f32 v3, v1;
	_ =	sdelay $0x1  }
0x138: {  	v1 =	vadd.f32 v63, v1;
	_ =	sdelay $0x1  }
0x139: {  	v1 =	vadd.f32 v2, v1  }
0x13a: {  	s31 =	simm.s32 $0x2800  }
0x13b: {  	s17 =	simm.s32 $0x1410;
	[tilespmem:s31+$0x0] =	vst v1  }
0x13c: {  	s18 =	simm.s32 $0x20;
	s0 =	simm.s32 $0x10;
	v1 =	vld [tilespmem:s17+$0x0]  }
.LBB2_6:
0x13d: {  	p4 =	sne.s32 s18, $0xF0;
	s7 =	sand.u32 $0xF0, s0;
	s0 =	smov.u32 s18  }
0x13e: {  	v2 =	vld [tilespmem:s7+$0x1500];
	_ =	sdelay $0x1  }
0x13f: {  	v3 =	vld [tilespmem:s7+$0x1600]  }
0x140: {  	v1 =	vadd.f32 v1, v0  }
0x141: {  	v4 =	vld [tilespmem:s7+$0x1700]  }
0x142: {  	v1 =	vadd.f32 v2, v1  }
0x143: {  	v2 =	vld [tilespmem:s7+$0x1800]  }
0x144: {  	v1 =	vadd.f32 v3, v1  }
0x145: {  	v3 =	vld [tilespmem:s7+$0x1900]  }
0x146: {  	v1 =	vadd.f32 v4, v1  }
0x147: {  	v4 =	vld [tilespmem:s7+$0x1A00]  }
0x148: {  	v1 =	vadd.f32 v2, v1  }
0x149: {  	v2 =	vld [tilespmem:s7+$0x1B00]  }
0x14a: {  	v1 =	vadd.f32 v3, v1  }
0x14b: {  	v3 =	vld [tilespmem:s7+$0x1C00]  }
0x14c: {  	v1 =	vadd.f32 v4, v1  }
0x14d: {  	v4 =	vld [tilespmem:s7+$0x1D00]  }
0x14e: {  	v1 =	vadd.f32 v2, v1  }
0x14f: {  	v2 =	vld [tilespmem:s7+$0x1E00]  }
0x150: {  	v1 =	vadd.f32 v3, v1  }
0x151: {  	v3 =	vld [tilespmem:s7+$0x1F00]  }
0x152: {  	v1 =	vadd.f32 v4, v1  }
0x153: {  	v4 =	vld [tilespmem:s7+$0x2000]  }
0x154: {  	v1 =	vadd.f32 v2, v1  }
0x155: {  	v2 =	vld [tilespmem:s7+$0x2100]  }
0x156: {  	v1 =	vadd.f32 v3, v1  }
0x157: {  	v3 =	vld [tilespmem:s7+$0x2200]  }
0x158: {  	v1 =	vadd.f32 v4, v1  }
0x159: {  	v4 =	vld [tilespmem:s7+$0x2300]  }
0x15a: {  	v1 =	vadd.f32 v2, v1  }
0x15b: {  	v2 =	vld [tilespmem:s7+$0x2400]  }
0x15c: {  	v1 =	vadd.f32 v3, v1  }
0x15d: {  	v3 =	vld [tilespmem:s7+$0x2500]  }
0x15e: {  	v1 =	vadd.f32 v4, v1  }
0x15f: {  	v4 =	vld [tilespmem:s7+$0x2600]  }
0x160: {  	v1 =	vadd.f32 v2, v1  }
0x161: {  	v2 =	vld [tilespmem:s7+$0x2700]  }
0x162: {  	v1 =	vadd.f32 v3, v1;
	_ =	sdelay $0x1  }
0x163: {  	v1 =	vadd.f32 v4, v1  }
.Ltmp2:
0x164: {  	(pc) =	sbr.rel @p4 .LBB2_6-.Ltmp2, $4  }
0x165: {  	v1 =	vadd.f32 v2, v1  }
0x166: {  	s31 =	sadd.s32 $0x10, s31  }
0x167: {  	s17 =	sadd.s32 $0x10, s17;
	[tilespmem:s31+$0x0] =	vst v1  }
0x168: {  	s18 =	sadd.s32 $0x10, s18;
	v1 =	vld [tilespmem:s17+$0x0]  }
0x169: {  	s0 =	sand.u32 $0xF0, s0  }
0x16a: {  	v2 =	vld [tilespmem:s0+$0x1500];
	_ =	sdelay $0x1  }
0x16b: {  	v3 =	vld [tilespmem:s0+$0x1600]  }
0x16c: {  	v0 =	vadd.f32 v1, v0  }
0x16d: {  	v47 =	vld [tilespmem:s0+$0x1700]  }
0x16e: {  	v0 =	vadd.f32 v2, v0  }
0x16f: {  	v48 =	vld [tilespmem:s0+$0x1800]  }
0x170: {  	v0 =	vadd.f32 v3, v0  }
0x171: {  	v49 =	vld [tilespmem:s0+$0x1900]  }
0x172: {  	v0 =	vadd.f32 v47, v0  }
0x173: {  	v50 =	vld [tilespmem:s0+$0x1A00]  }
0x174: {  	v0 =	vadd.f32 v48, v0  }
0x175: {  	v51 =	vld [tilespmem:s0+$0x1B00]  }
0x176: {  	v0 =	vadd.f32 v49, v0  }
0x177: {  	v52 =	vld [tilespmem:s0+$0x1C00]  }
0x178: {  	v0 =	vadd.f32 v50, v0  }
0x179: {  	v53 =	vld [tilespmem:s0+$0x1D00]  }
0x17a: {  	v0 =	vadd.f32 v51, v0  }
0x17b: {  	v54 =	vld [tilespmem:s0+$0x1E00]  }
0x17c: {  	v0 =	vadd.f32 v52, v0  }
0x17d: {  	v55 =	vld [tilespmem:s0+$0x1F00]  }
0x17e: {  	v0 =	vadd.f32 v53, v0  }
0x17f: {  	v56 =	vld [tilespmem:s0+$0x2000]  }
0x180: {  	v0 =	vadd.f32 v54, v0  }
0x181: {  	v57 =	vld [tilespmem:s0+$0x2100]  }
0x182: {  	v0 =	vadd.f32 v55, v0  }
0x183: {  	v58 =	vld [tilespmem:s0+$0x2200]  }
0x184: {  	v0 =	vadd.f32 v56, v0  }
0x185: {  	v59 =	vld [tilespmem:s0+$0x2300]  }
0x186: {  	v0 =	vadd.f32 v57, v0  }
0x187: {  	v60 =	vld [tilespmem:s0+$0x2400]  }
0x188: {  	v0 =	vadd.f32 v58, v0  }
0x189: {  	v61 =	vld [tilespmem:s0+$0x2500]  }
0x18a: {  	v0 =	vadd.f32 v59, v0  }
0x18b: {  	v62 =	vld [tilespmem:s0+$0x2600]  }
0x18c: {  	v0 =	vadd.f32 v60, v0  }
0x18d: {  	v63 =	vld [tilespmem:s0+$0x2700]  }
0x18e: {  	v0 =	vadd.f32 v61, v0;
	_ =	sdelay $0x1  }
0x18f: {  	v0 =	vadd.f32 v62, v0;
	_ =	sdelay $0x1  }
0x190: {  	s16 =	sadd.s32 $0x1, s16;
	v0 =	vadd.f32 v63, v0  }
0x191: {  	s31 =	sadd.s32 $0x10, s31;
	p4 =	sne.s32 s16, s24  }
.Ltmp3:
0x192: {  	[tilespmem:s31+$0x0] =	vst v0;
	(pc) =	sbr.rel @p4 .LBB2_1-.Ltmp3, $4  }
0x193: {  	[hbm4b:s20+s3] =	stream.linear.scatter [tilespmem:s30], [sflag:$0x2], $0x100, $0x38;
	[tilespmem:$0x41F0] =	vst v63  }
0x194: {  	_ =	swait.ge [sflag:s15], $0x100  }
0x195: {  	[sflag:s15] =	ssyncset.done $0x0  }
0x196: {  	[sflag:s15] =	ssyncadd.s32 $0xFFFFFF00  }
0x197: {  	_ =	sfence.sel $0x180000  }
0x198: {  	[bflag:$0x0] =	sbarrier.arrive $0xFFFF  }
0x199: {  	_ =	strace $0x90000047  }
0x19a: {  	s0 =	stileid.u32;
	[bflag:$0x2] =	sbarrier.arrive $0xFFFF  }
0x19b: {  	p0 =	sne.s32 s0, $0x0;
	s0 =	rddreg [dreg:$0x3]  }
0x19c: {  	s0 =	sadd.s32 @!p0 $0x100000, s0  }
0x19d: {  	[sflag:s0] =	ssyncadd.tile.s32 @!p0 $0x1;
	_ =	shalt  }
.Lfunc_end2:
_tile_overlayer_lowered:
.L_overlay_start_2:
0x19e: {  	(tag) =	ssettag $0x2  }
0x19f: {  	s0 =	rddreg [dreg:$0x0];
	s2 =	stileid.u32  }
0x1a0: {  	s1 =	rddreg [dreg:$0x1];
	p0 =	sne.s32 s2, $0x0  }
0x1a1: {  	s3 =	rddreg [dreg:$0x2];
	[bflag:$0x3] =	sbarrier.arrive $0xFFFF;
	s2 =	simm.s32 @!p0 $0x1C02  }
0x1a2: {  	[timem:s3], [sflag:s2] =	dma.local @!p0 [hbm:s0], s1  }
0x1a3: {  	s0 =	simm.s32 @!p0 $0x2  }
0x1a4: {  	_ =	swait.ge @!p0 [sflag:s0], s1  }
0x1a5: {  	s1 =	ssub.s32 @!p0 $0x0, s1;
	[sflag:s0] =	ssyncset.done @!p0 $0x0  }
0x1a6: {  	[sflag:s0] =	ssyncadd.s32 @!p0 s1  }
0x1a7: {  	[bflag:$0x3] =	sbarrier.arrive $0xFFFF  }
0x1a8: {  	_ =	shalt  }

</sc_bundles>
